<compile_context>
chip_gen: v7x
topology: tpu7x:2x2x1
jax: 0.10.2.dev20260603
libtpu: 0.0.44.dev20260713+nightly
codegen_flags: <defaults>
</compile_context>

<pallas_src>
import functools

import jax
import jax.numpy as jnp
from jax import lax
from jax.experimental import pallas as pl
from jax.experimental.pallas import tpu as pltpu
from jax.experimental.pallas import tpu_sc as plsc

VOCAB = 1000
D = 64
T = 200
B = 4096
N = B * T
NC = 2
NS = 16
NW = NC * NS
ROWS_PER_W = N // NW
CHUNK = 256
NCHUNKS = ROWS_PER_W // CHUNK
NBUF = 4
LOOK = 2


@functools.cache
def _build_sc_encode():
    mesh = plsc.VectorSubcoreMesh(core_axis_name="c", subcore_axis_name="s")
    return pl.kernel(
        _sc_encode_body,
        out_type=jax.ShapeDtypeStruct((N, D), jnp.float32),
        mesh=mesh,
        scratch_types=[
            pltpu.VMEM((ROWS_PER_W,), jnp.int32),
            [pltpu.VMEM((CHUNK, D), jnp.float32) for _ in range(NBUF)],
            pltpu.VMEM((T, D), jnp.float32),
            pltpu.VMEM_SHARED((VOCAB, D), jnp.float32),
            [pltpu.SemaphoreType.DMA for _ in range(NBUF)],
            [pltpu.SemaphoreType.DMA for _ in range(NBUF)],
        ],
        compiler_params=pltpu.CompilerParams(use_tc_tiling_on_sc=False),
    )


def _sc_encode_body(idx_hbm, table_hbm, pos_hbm, out_hbm,
                    idx_v, bufs, pos_v, table_sh, gsems, osems):
    sid = lax.axis_index("s")
    wid = sid * NC + lax.axis_index("c")
    base = wid * ROWS_PER_W

    @pl.when(sid == 0)
    def _():
        pltpu.sync_copy(table_hbm, table_sh)

    pltpu.sync_copy(
        idx_hbm.at[pl.ds(pl.multiple_of(wid * ROWS_PER_W, 8), ROWS_PER_W)], idx_v)
    pltpu.sync_copy(pos_hbm.at[pl.ds(0, T)], pos_v)
    plsc.subcore_barrier()

    def gather_descr(c, slot):
        return pltpu.make_async_copy(
            table_sh.at[idx_v.at[pl.ds(c * CHUNK, CHUNK)]],
            bufs[slot],
            gsems[slot],
        )

    def out_descr(c, slot):
        r0 = pl.multiple_of(base + c * CHUNK, 8)
        return pltpu.make_async_copy(
            bufs[slot],
            out_hbm.at[pl.ds(r0, CHUNK)],
            osems[slot],
        )

    for c in range(LOOK):
        gather_descr(c, c % NBUF).start()

    def ring_body(c4, _):
        for s in range(NBUF):
            c = NBUF * c4 + s
            sg = (s + LOOK) % NBUF

            @pl.when((c >= NBUF - LOOK) & (c + LOOK < NCHUNKS))
            def _():
                out_descr(c + LOOK - NBUF, sg).wait()

            @pl.when(c + LOOK < NCHUNKS)
            def _():
                gather_descr(c + LOOK, sg).start()

            gather_descr(c, s).wait()
            buf = bufs[s]

            def row_body(r, t):
                for j in range(D // 16):
                    plsc.addupdate(
                        buf.at[r, pl.ds(16 * j, 16)],
                        pos_v[t, pl.ds(16 * j, 16)],
                    )
                return lax.select(t == T - 1, 0, t + 1)

            lax.fori_loop(0, CHUNK, row_body, lax.rem(CHUNK * c, T), unroll=2)
            out_descr(c, s).start()
        return 0

    lax.fori_loop(0, NCHUNKS // NBUF, ring_body, 0)
    for c in range(NCHUNKS - NBUF, NCHUNKS):
        out_descr(c, c % NBUF).wait()


def kernel(raw_char_indices, emb0, emb1, emb2, emb3, pos_table):
    idx = raw_char_indices.astype(jnp.int32).reshape(N)
    table = jnp.concatenate([emb0, emb1, emb2, emb3], axis=1)
    out = _build_sc_encode()(idx, table, pos_table)
    return out.reshape(B, T, D)

# --- scband reference (transcript-rebuilt; emitter-appended) ---
"""Pipeline reference for scband-universal-raw-text-encoder-64862596104783 (READ-ONLY COPY).

The authoritative reference and input builder live on the scoring server;
editing this copy changes nothing except your own understanding.
"""

import jax, jax.numpy as jnp
import numpy as np

VOCAB = 1000
CHAR_DIM = 16
N_FREQ = 4
EMBED_DIM = 64  # CHAR_DIM * N_FREQ == EMBED_DIM -> projection is Identity
BLOCK = 2048
B, T = 4096, 200


def setup_inputs(seed: int = 0) -> dict:
    key = jax.random.key(seed)
    ks = jax.random.split(key, 8)
    raw_char_indices = jax.random.randint(ks[0], (B, T), 0, VOCAB, dtype=jnp.int64 if jax.config.jax_enable_x64 else jnp.int32)
    emb0 = jax.random.normal(ks[1], (VOCAB, CHAR_DIM), dtype=jnp.float32)
    emb1 = jax.random.normal(ks[2], (VOCAB, CHAR_DIM), dtype=jnp.float32)
    emb2 = jax.random.normal(ks[3], (VOCAB, CHAR_DIM), dtype=jnp.float32)
    emb3 = jax.random.normal(ks[4], (VOCAB, CHAR_DIM), dtype=jnp.float32)
    pos_table = jax.random.normal(ks[5], (BLOCK, EMBED_DIM), dtype=jnp.float32)
    return {
        "raw_char_indices": raw_char_indices,
        "emb0": emb0,
        "emb1": emb1,
        "emb2": emb2,
        "emb3": emb3,
        "pos_table": pos_table,
    }


def reference(raw_char_indices, emb0, emb1, emb2, emb3, pos_table):
    # MultiFrequencyCharEmbedding: gather from each frequency table and concat
    embeds = [jnp.take(e, raw_char_indices, axis=0) for e in (emb0, emb1, emb2, emb3)]
    x = jnp.concatenate(embeds, axis=-1)  # [B, T, EMBED_DIM]
    # projection is Identity since CHAR_DIM * N_FREQ == EMBED_DIM
    Tlen = raw_char_indices.shape[1]
    pos = jnp.arange(Tlen)
    pos_emb = jnp.take(pos_table, pos, axis=0)  # [T, EMBED_DIM]
    # dropout is identity in eval mode
    return x + pos_emb[None, :, :]

if __name__ == "__main__":
    import jax
    _d = setup_inputs()
    print(jax.jit(kernel)(*tuple(_d.values())))

</pallas_src>

<mosaic_0001>
#map = affine_map<(d0, d1) -> (0)>
#map1 = affine_map<(d0, d1) -> (0, 0)>
module attributes {stable_mosaic.version = 14 : i64} {
  func.func @_sc_encode_body(%arg0: i32, %arg1: i32, %arg2: memref<819200xi32, #tpu.memory_space<hbm>>, %arg3: memref<1000x64xf32, #tpu.memory_space<hbm>>, %arg4: memref<2048x64xf32, #tpu.memory_space<hbm>>, %arg5: memref<819200x64xf32, #tpu.memory_space<hbm>>, %arg6: memref<25600xi32, #tpu.memory_space<vmem>>, %arg7: memref<256x64xf32, #tpu.memory_space<vmem>>, %arg8: memref<256x64xf32, #tpu.memory_space<vmem>>, %arg9: memref<256x64xf32, #tpu.memory_space<vmem>>, %arg10: memref<256x64xf32, #tpu.memory_space<vmem>>, %arg11: memref<200x64xf32, #tpu.memory_space<vmem>>, %arg12: memref<1000x64xf32, #tpu.memory_space<vmem_shared>>, %arg13: memref<!tpu.dma_semaphore, #tpu.memory_space<semaphore_mem>>, %arg14: memref<!tpu.dma_semaphore, #tpu.memory_space<semaphore_mem>>, %arg15: memref<!tpu.dma_semaphore, #tpu.memory_space<semaphore_mem>>, %arg16: memref<!tpu.dma_semaphore, #tpu.memory_space<semaphore_mem>>, %arg17: memref<!tpu.dma_semaphore, #tpu.memory_space<semaphore_mem>>, %arg18: memref<!tpu.dma_semaphore, #tpu.memory_space<semaphore_mem>>, %arg19: memref<!tpu.dma_semaphore, #tpu.memory_space<semaphore_mem>>, %arg20: memref<!tpu.dma_semaphore, #tpu.memory_space<semaphore_mem>>) attributes {dimension_semantics = [#tpu.dimension_semantics<core_parallel>, #tpu.dimension_semantics<subcore_parallel>], iteration_bounds = array<i64: 2, 16>, scalar_prefetch = 0 : i64, scratch_operands = 15 : i64, tpu.core_type = #tpu.core_type<sc_vector_subcore>, window_params = [{transform_indices = #map}, {transform_indices = #map1}, {transform_indices = #map1}, {transform_indices = #map1}]} {
    %mul3A = arith.constant 2 : i32
    %mul3A_0 = arith.muli %arg1, %mul3A : i32
    %add3A = arith.addi %mul3A_0, %arg0 : i32
    %mul3A_1 = arith.constant 25600 : i32
    %mul3A_2 = arith.muli %add3A, %mul3A_1 : i32
    %eq3A = arith.constant 0 : i32
    %eq3A_3 = arith.cmpi eq, %arg1, %eq3A : i32
    %convert_element_type3A = arith.extui %eq3A_3 : i1 to i32
    %cond3A = arith.constant 0 : i32
    %cond3A_4 = arith.cmpi ne, %convert_element_type3A, %cond3A : i32
    scf.if %cond3A_4 {
      "tpu.region"() ({
        %run_scoped3A = tpu.sem_alloc : memref<!tpu.dma_semaphore, #tpu.memory_space<semaphore_mem>>
        tpu.enqueue_dma source(%arg3 : memref<1000x64xf32, #tpu.memory_space<hbm>>) target(%arg12 : memref<1000x64xf32, #tpu.memory_space<vmem_shared>>) target_semaphore(%run_scoped3A : memref<!tpu.dma_semaphore, #tpu.memory_space<semaphore_mem>>)
        tpu.wait_dma2 semaphore(%run_scoped3A : memref<!tpu.dma_semaphore, #tpu.memory_space<semaphore_mem>>) src(%arg3 : memref<1000x64xf32, #tpu.memory_space<hbm>>) dst(%arg12 : memref<1000x64xf32, #tpu.memory_space<vmem_shared>>)
        tpu.yield
      }) : () -> ()
    } else {
    }
    %mul3A_5 = arith.constant 25600 : i32
    %mul3A_6 = arith.muli %add3A, %mul3A_5 : i32
    %multiple_of3A = tpu.assume_multiple %mul3A_6, 8 : i32
    "tpu.region"() ({
      %run_scoped3A = tpu.sem_alloc : memref<!tpu.dma_semaphore, #tpu.memory_space<semaphore_mem>>
      %dma_start3A_49 = tpu.memref_slice %arg2[%multiple_of3A] : memref<819200xi32, #tpu.memory_space<hbm>> -> memref<25600xi32, #tpu.memory_space<hbm>>
      %dma_start3A_50 = tpu.memref_slice %arg2[%multiple_of3A] : memref<819200xi32, #tpu.memory_space<hbm>> -> memref<25600xi32, #tpu.memory_space<hbm>>
      tpu.enqueue_dma source(%dma_start3A_50 : memref<25600xi32, #tpu.memory_space<hbm>>) target(%arg6 : memref<25600xi32, #tpu.memory_space<vmem>>) target_semaphore(%run_scoped3A : memref<!tpu.dma_semaphore, #tpu.memory_space<semaphore_mem>>)
      %dma_wait3A_51 = tpu.memref_slice %arg2[%multiple_of3A] : memref<819200xi32, #tpu.memory_space<hbm>> -> memref<25600xi32, #tpu.memory_space<hbm>>
      %dma_wait3A_52 = tpu.memref_slice %arg2[%multiple_of3A] : memref<819200xi32, #tpu.memory_space<hbm>> -> memref<25600xi32, #tpu.memory_space<hbm>>
      tpu.wait_dma2 semaphore(%run_scoped3A : memref<!tpu.dma_semaphore, #tpu.memory_space<semaphore_mem>>) src(%dma_wait3A_52 : memref<25600xi32, #tpu.memory_space<hbm>>) dst(%arg6 : memref<25600xi32, #tpu.memory_space<vmem>>)
      tpu.yield
    }) : () -> ()
    "tpu.region"() ({
      %run_scoped3A = tpu.sem_alloc : memref<!tpu.dma_semaphore, #tpu.memory_space<semaphore_mem>>
      %dma_start3A_49 = arith.constant 0 : i32
      %dma_start3A_50 = arith.constant 0 : i32
      %dma_start3A_51 = tpu.memref_slice %arg4[%dma_start3A_49, %dma_start3A_50] : memref<2048x64xf32, #tpu.memory_space<hbm>> -> memref<200x64xf32, #tpu.memory_space<hbm>>
      %dma_start3A_52 = arith.constant 0 : i32
      %dma_start3A_53 = arith.constant 0 : i32
      %dma_start3A_54 = tpu.memref_slice %arg4[%dma_start3A_52, %dma_start3A_53] : memref<2048x64xf32, #tpu.memory_space<hbm>> -> memref<200x64xf32, #tpu.memory_space<hbm>>
      tpu.enqueue_dma source(%dma_start3A_54 : memref<200x64xf32, #tpu.memory_space<hbm>>) target(%arg11 : memref<200x64xf32, #tpu.memory_space<vmem>>) target_semaphore(%run_scoped3A : memref<!tpu.dma_semaphore, #tpu.memory_space<semaphore_mem>>)
      %dma_wait3A_55 = arith.constant 0 : i32
      %dma_wait3A_56 = arith.constant 0 : i32
      %dma_wait3A_57 = tpu.memref_slice %arg4[%dma_wait3A_55, %dma_wait3A_56] : memref<2048x64xf32, #tpu.memory_space<hbm>> -> memref<200x64xf32, #tpu.memory_space<hbm>>
      %dma_wait3A_58 = arith.constant 0 : i32
      %dma_wait3A_59 = arith.constant 0 : i32
      %dma_wait3A_60 = tpu.memref_slice %arg4[%dma_wait3A_58, %dma_wait3A_59] : memref<2048x64xf32, #tpu.memory_space<hbm>> -> memref<200x64xf32, #tpu.memory_space<hbm>>
      tpu.wait_dma2 semaphore(%run_scoped3A : memref<!tpu.dma_semaphore, #tpu.memory_space<semaphore_mem>>) src(%dma_wait3A_60 : memref<200x64xf32, #tpu.memory_space<hbm>>) dst(%arg11 : memref<200x64xf32, #tpu.memory_space<vmem>>)
      tpu.yield
    }) : () -> ()
    %barrier3A = arith.constant 0 : index
    tpu.barrier barrier_id(%barrier3A)
    %dma_start3A = arith.constant 0 : i32
    %dma_start3A_7 = tpu.memref_slice %arg6[%dma_start3A] : memref<25600xi32, #tpu.memory_space<vmem>> -> memref<256xi32, #tpu.memory_space<vmem>>
    %dma_start3A_8 = arith.constant 0 : i32
    %dma_start3A_9 = arith.constant 0 : i32
    %dma_start3A_10 = tpu.memref_slice %arg12[%dma_start3A_8, %dma_start3A_9] : memref<1000x64xf32, #tpu.memory_space<vmem_shared>> -> memref<1000x64xf32, #tpu.memory_space<vmem_shared>>
    tpu.enqueue_indirect_dma source(%dma_start3A_10 : memref<1000x64xf32, #tpu.memory_space<vmem_shared>>) target(%arg7 : memref<256x64xf32, #tpu.memory_space<vmem>>) offsets(%dma_start3A_7 : memref<256xi32, #tpu.memory_space<vmem>>) semaphore(%arg13 : memref<!tpu.dma_semaphore, #tpu.memory_space<semaphore_mem>>)
    %dma_start3A_11 = arith.constant 256 : i32
    %dma_start3A_12 = tpu.memref_slice %arg6[%dma_start3A_11] : memref<25600xi32, #tpu.memory_space<vmem>> -> memref<256xi32, #tpu.memory_space<vmem>>
    %dma_start3A_13 = arith.constant 0 : i32
    %dma_start3A_14 = arith.constant 0 : i32
    %dma_start3A_15 = tpu.memref_slice %arg12[%dma_start3A_13, %dma_start3A_14] : memref<1000x64xf32, #tpu.memory_space<vmem_shared>> -> memref<1000x64xf32, #tpu.memory_space<vmem_shared>>
    tpu.enqueue_indirect_dma source(%dma_start3A_15 : memref<1000x64xf32, #tpu.memory_space<vmem_shared>>) target(%arg8 : memref<256x64xf32, #tpu.memory_space<vmem>>) offsets(%dma_start3A_12 : memref<256xi32, #tpu.memory_space<vmem>>) semaphore(%arg14 : memref<!tpu.dma_semaphore, #tpu.memory_space<semaphore_mem>>)
    %scan3A = arith.constant 0 : i32
    %scan3A_16 = arith.constant 0 : i32
    %scan3A_17 = arith.constant 25 : i32
    %scan3A_18 = arith.addi %scan3A_16, %scan3A_17 : i32
    %scan3A_19 = arith.constant 1 : i32
    %scan3A_20 = scf.for %scan3A_49 = %scan3A_16 to %scan3A_18 step %scan3A_19 iter_args(%scan3A_50 = %scan3A) -> (i32)  : i32 {
      %mul3A_51 = arith.constant 4 : i32
      %mul3A_52 = arith.muli %mul3A_51, %scan3A_49 : i32
      %add3A_53 = arith.constant 0 : i32
      %add3A_54 = arith.addi %mul3A_52, %add3A_53 : i32
      %ge3A = arith.constant 2 : i32
      %ge3A_55 = arith.cmpi sge, %add3A_54, %ge3A : i32
      %add3A_56 = arith.constant 2 : i32
      %add3A_57 = arith.addi %add3A_54, %add3A_56 : i32
      %lt3A = arith.constant 100 : i32
      %lt3A_58 = arith.cmpi slt, %add3A_57, %lt3A : i32
      %and3A = arith.andi %ge3A_55, %lt3A_58 : i1
      %convert_element_type3A_59 = arith.extui %and3A : i1 to i32
      %cond3A_60 = arith.constant 0 : i32
      %cond3A_61 = arith.cmpi ne, %convert_element_type3A_59, %cond3A_60 : i32
      scf.if %cond3A_61 {
        %add3A_228 = arith.constant 2 : i32
        %add3A_229 = arith.addi %add3A_54, %add3A_228 : i32
        %sub3A = arith.constant 4 : i32
        %sub3A_230 = arith.subi %add3A_229, %sub3A : i32
        %mul3A_231 = arith.constant 256 : i32
        %mul3A_232 = arith.muli %sub3A_230, %mul3A_231 : i32
        %add3A_233 = arith.addi %mul3A_2, %mul3A_232 : i32
        %multiple_of3A_234 = tpu.assume_multiple %add3A_233, 8 : i32
        %dma_wait3A_235 = arith.constant 0 : i32
        %dma_wait3A_236 = tpu.memref_slice %arg5[%multiple_of3A_234, %dma_wait3A_235] : memref<819200x64xf32, #tpu.memory_space<hbm>> -> memref<256x64xf32, #tpu.memory_space<hbm>>
        %dma_wait3A_237 = arith.constant 0 : i32
        %dma_wait3A_238 = tpu.memref_slice %arg5[%multiple_of3A_234, %dma_wait3A_237] : memref<819200x64xf32, #tpu.memory_space<hbm>> -> memref<256x64xf32, #tpu.memory_space<hbm>>
        tpu.wait_dma2 semaphore(%arg19 : memref<!tpu.dma_semaphore, #tpu.memory_space<semaphore_mem>>) src(%arg9 : memref<256x64xf32, #tpu.memory_space<vmem>>) dst(%dma_wait3A_238 : memref<256x64xf32, #tpu.memory_space<hbm>>)
      } else {
      }
      %add3A_62 = arith.constant 2 : i32
      %add3A_63 = arith.addi %add3A_54, %add3A_62 : i32
      %lt3A_64 = arith.constant 100 : i32
      %lt3A_65 = arith.cmpi slt, %add3A_63, %lt3A_64 : i32
      %convert_element_type3A_66 = arith.extui %lt3A_65 : i1 to i32
      %cond3A_67 = arith.constant 0 : i32
      %cond3A_68 = arith.cmpi ne, %convert_element_type3A_66, %cond3A_67 : i32
      scf.if %cond3A_68 {
        %add3A_228 = arith.constant 2 : i32
        %add3A_229 = arith.addi %add3A_54, %add3A_228 : i32
        %mul3A_230 = arith.constant 256 : i32
        %mul3A_231 = arith.muli %add3A_229, %mul3A_230 : i32
        %dma_start3A_232 = tpu.memref_slice %arg6[%mul3A_231] : memref<25600xi32, #tpu.memory_space<vmem>> -> memref<256xi32, #tpu.memory_space<vmem>>
        %dma_start3A_233 = arith.constant 0 : i32
        %dma_start3A_234 = arith.constant 0 : i32
        %dma_start3A_235 = tpu.memref_slice %arg12[%dma_start3A_233, %dma_start3A_234] : memref<1000x64xf32, #tpu.memory_space<vmem_shared>> -> memref<1000x64xf32, #tpu.memory_space<vmem_shared>>
        tpu.enqueue_indirect_dma source(%dma_start3A_235 : memref<1000x64xf32, #tpu.memory_space<vmem_shared>>) target(%arg9 : memref<256x64xf32, #tpu.memory_space<vmem>>) offsets(%dma_start3A_232 : memref<256xi32, #tpu.memory_space<vmem>>) semaphore(%arg15 : memref<!tpu.dma_semaphore, #tpu.memory_space<semaphore_mem>>)
      } else {
      }
      %mul3A_69 = arith.constant 256 : i32
      %mul3A_70 = arith.muli %add3A_54, %mul3A_69 : i32
      %dma_wait3A_71 = tpu.memref_slice %arg6[%mul3A_70] : memref<25600xi32, #tpu.memory_space<vmem>> -> memref<256xi32, #tpu.memory_space<vmem>>
      %dma_wait3A_72 = arith.constant 0 : i32
      %dma_wait3A_73 = arith.constant 0 : i32
      %dma_wait3A_74 = tpu.memref_slice %arg12[%dma_wait3A_72, %dma_wait3A_73] : memref<1000x64xf32, #tpu.memory_space<vmem_shared>> -> memref<1000x64xf32, #tpu.memory_space<vmem_shared>>
      tpu.wait_indirect_dma semaphore(%arg13 : memref<!tpu.dma_semaphore, #tpu.memory_space<semaphore_mem>>) src(%dma_wait3A_74 : memref<1000x64xf32, #tpu.memory_space<vmem_shared>>) dst(%arg7 : memref<256x64xf32, #tpu.memory_space<vmem>>)
      %mul3A_75 = arith.constant 256 : i32
      %mul3A_76 = arith.muli %mul3A_75, %add3A_54 : i32
      %rem3A = arith.constant 200 : i32
      %rem3A_77 = arith.remsi %mul3A_76, %rem3A : i32
      %scan3A_78 = arith.constant 0 : i32
      %scan3A_79 = arith.constant 256 : i32
      %scan3A_80 = arith.addi %scan3A_78, %scan3A_79 : i32
      %scan3A_81 = arith.constant 2 : i32
      %scan3A_82 = scf.for %scan3A_228 = %scan3A_78 to %scan3A_80 step %scan3A_81 iter_args(%scan3A_229 = %rem3A_77) -> (i32)  : i32 {
        %get3A = arith.index_cast %scan3A_229 : i32 to index
        %get3A_230 = arith.constant 0 : index
        %get3A_231 = tpu.vector_load %arg11[%get3A, %get3A_230] {strides = array<i32>} : memref<200x64xf32, #tpu.memory_space<vmem>>, vector<1x16xf32>,
        %get3A_232 = vector.shape_cast %get3A_231 : vector<1x16xf32> to vector<16xf32>
        %swap3A = arith.index_cast %scan3A_228 : i32 to index
        %swap3A_233 = arith.constant 0 : index
        %swap3A_234 = tpu.vector_load %arg7[%swap3A, %swap3A_233] {strides = array<i32>} : memref<256x64xf32, #tpu.memory_space<vmem>>, vector<1x16xf32>,
        %swap3A_235 = vector.shape_cast %swap3A_234 : vector<1x16xf32> to vector<16xf32>
        %swap3A_236 = vector.shape_cast %get3A_232 : vector<16xf32> to vector<1x16xf32>
        tpu.vector_store %arg7[%swap3A, %swap3A_233], %swap3A_236 {add = true, strides = array<i32>} : memref<256x64xf32, #tpu.memory_space<vmem>>, vector<1x16xf32>,
        %get3A_237 = arith.index_cast %scan3A_229 : i32 to index
        %get3A_238 = arith.constant 16 : index
        %get3A_239 = tpu.vector_load %arg11[%get3A_237, %get3A_238] {strides = array<i32>} : memref<200x64xf32, #tpu.memory_space<vmem>>, vector<1x16xf32>,
        %get3A_240 = vector.shape_cast %get3A_239 : vector<1x16xf32> to vector<16xf32>
        %swap3A_241 = arith.index_cast %scan3A_228 : i32 to index
        %swap3A_242 = arith.constant 16 : index
        %swap3A_243 = tpu.vector_load %arg7[%swap3A_241, %swap3A_242] {strides = array<i32>} : memref<256x64xf32, #tpu.memory_space<vmem>>, vector<1x16xf32>,
        %swap3A_244 = vector.shape_cast %swap3A_243 : vector<1x16xf32> to vector<16xf32>
        %swap3A_245 = vector.shape_cast %get3A_240 : vector<16xf32> to vector<1x16xf32>
        tpu.vector_store %arg7[%swap3A_241, %swap3A_242], %swap3A_245 {add = true, strides = array<i32>} : memref<256x64xf32, #tpu.memory_space<vmem>>, vector<1x16xf32>,
        %get3A_246 = arith.index_cast %scan3A_229 : i32 to index
        %get3A_247 = arith.constant 32 : index
        %get3A_248 = tpu.vector_load %arg11[%get3A_246, %get3A_247] {strides = array<i32>} : memref<200x64xf32, #tpu.memory_space<vmem>>, vector<1x16xf32>,
        %get3A_249 = vector.shape_cast %get3A_248 : vector<1x16xf32> to vector<16xf32>
        %swap3A_250 = arith.index_cast %scan3A_228 : i32 to index
        %swap3A_251 = arith.constant 32 : index
        %swap3A_252 = tpu.vector_load %arg7[%swap3A_250, %swap3A_251] {strides = array<i32>} : memref<256x64xf32, #tpu.memory_space<vmem>>, vector<1x16xf32>,
        %swap3A_253 = vector.shape_cast %swap3A_252 : vector<1x16xf32> to vector<16xf32>
        %swap3A_254 = vector.shape_cast %get3A_249 : vector<16xf32> to vector<1x16xf32>
        tpu.vector_store %arg7[%swap3A_250, %swap3A_251], %swap3A_254 {add = true, strides = array<i32>} : memref<256x64xf32, #tpu.memory_space<vmem>>, vector<1x16xf32>,
        %get3A_255 = arith.index_cast %scan3A_229 : i32 to index
        %get3A_256 = arith.constant 48 : index
        %get3A_257 = tpu.vector_load %arg11[%get3A_255, %get3A_256] {strides = array<i32>} : memref<200x64xf32, #tpu.memory_space<vmem>>, vector<1x16xf32>,
        %get3A_258 = vector.shape_cast %get3A_257 : vector<1x16xf32> to vector<16xf32>
        %swap3A_259 = arith.index_cast %scan3A_228 : i32 to index
        %swap3A_260 = arith.constant 48 : index
        %swap3A_261 = tpu.vector_load %arg7[%swap3A_259, %swap3A_260] {strides = array<i32>} : memref<256x64xf32, #tpu.memory_space<vmem>>, vector<1x16xf32>,
        %swap3A_262 = vector.shape_cast %swap3A_261 : vector<1x16xf32> to vector<16xf32>
        %swap3A_263 = vector.shape_cast %get3A_258 : vector<16xf32> to vector<1x16xf32>
        tpu.vector_store %arg7[%swap3A_259, %swap3A_260], %swap3A_263 {add = true, strides = array<i32>} : memref<256x64xf32, #tpu.memory_space<vmem>>, vector<1x16xf32>,
        %eq3A_264 = arith.constant 199 : i32
        %eq3A_265 = arith.cmpi eq, %scan3A_229, %eq3A_264 : i32
        %add3A_266 = arith.constant 1 : i32
        %add3A_267 = arith.addi %scan3A_229, %add3A_266 : i32
        %select_n3A = arith.constant 0 : i32
        %select_n3A_268 = arith.select %eq3A_265, %select_n3A, %add3A_267 : i32
        %scan3A_269 = arith.constant 1 : i32
        %scan3A_270 = arith.addi %scan3A_228, %scan3A_269 : i32
        %get3A_271 = arith.index_cast %select_n3A_268 : i32 to index
        %get3A_272 = arith.constant 0 : index
        %get3A_273 = tpu.vector_load %arg11[%get3A_271, %get3A_272] {strides = array<i32>} : memref<200x64xf32, #tpu.memory_space<vmem>>, vector<1x16xf32>,
        %get3A_274 = vector.shape_cast %get3A_273 : vector<1x16xf32> to vector<16xf32>
        %swap3A_275 = arith.index_cast %scan3A_270 : i32 to index
        %swap3A_276 = arith.constant 0 : index
        %swap3A_277 = tpu.vector_load %arg7[%swap3A_275, %swap3A_276] {strides = array<i32>} : memref<256x64xf32, #tpu.memory_space<vmem>>, vector<1x16xf32>,
        %swap3A_278 = vector.shape_cast %swap3A_277 : vector<1x16xf32> to vector<16xf32>
        %swap3A_279 = vector.shape_cast %get3A_274 : vector<16xf32> to vector<1x16xf32>
        tpu.vector_store %arg7[%swap3A_275, %swap3A_276], %swap3A_279 {add = true, strides = array<i32>} : memref<256x64xf32, #tpu.memory_space<vmem>>, vector<1x16xf32>,
        %get3A_280 = arith.index_cast %select_n3A_268 : i32 to index
        %get3A_281 = arith.constant 16 : index
        %get3A_282 = tpu.vector_load %arg11[%get3A_280, %get3A_281] {strides = array<i32>} : memref<200x64xf32, #tpu.memory_space<vmem>>, vector<1x16xf32>,
        %get3A_283 = vector.shape_cast %get3A_282 : vector<1x16xf32> to vector<16xf32>
        %swap3A_284 = arith.index_cast %scan3A_270 : i32 to index
        %swap3A_285 = arith.constant 16 : index
        %swap3A_286 = tpu.vector_load %arg7[%swap3A_284, %swap3A_285] {strides = array<i32>} : memref<256x64xf32, #tpu.memory_space<vmem>>, vector<1x16xf32>,
        %swap3A_287 = vector.shape_cast %swap3A_286 : vector<1x16xf32> to vector<16xf32>
        %swap3A_288 = vector.shape_cast %get3A_283 : vector<16xf32> to vector<1x16xf32>
        tpu.vector_store %arg7[%swap3A_284, %swap3A_285], %swap3A_288 {add = true, strides = array<i32>} : memref<256x64xf32, #tpu.memory_space<vmem>>, vector<1x16xf32>,
        %get3A_289 = arith.index_cast %select_n3A_268 : i32 to index
        %get3A_290 = arith.constant 32 : index
        %get3A_291 = tpu.vector_load %arg11[%get3A_289, %get3A_290] {strides = array<i32>} : memref<200x64xf32, #tpu.memory_space<vmem>>, vector<1x16xf32>,
        %get3A_292 = vector.shape_cast %get3A_291 : vector<1x16xf32> to vector<16xf32>
        %swap3A_293 = arith.index_cast %scan3A_270 : i32 to index
        %swap3A_294 = arith.constant 32 : index
        %swap3A_295 = tpu.vector_load %arg7[%swap3A_293, %swap3A_294] {strides = array<i32>} : memref<256x64xf32, #tpu.memory_space<vmem>>, vector<1x16xf32>,
        %swap3A_296 = vector.shape_cast %swap3A_295 : vector<1x16xf32> to vector<16xf32>
        %swap3A_297 = vector.shape_cast %get3A_292 : vector<16xf32> to vector<1x16xf32>
        tpu.vector_store %arg7[%swap3A_293, %swap3A_294], %swap3A_297 {add = true, strides = array<i32>} : memref<256x64xf32, #tpu.memory_space<vmem>>, vector<1x16xf32>,
        %get3A_298 = arith.index_cast %select_n3A_268 : i32 to index
        %get3A_299 = arith.constant 48 : index
        %get3A_300 = tpu.vector_load %arg11[%get3A_298, %get3A_299] {strides = array<i32>} : memref<200x64xf32, #tpu.memory_space<vmem>>, vector<1x16xf32>,
        %get3A_301 = vector.shape_cast %get3A_300 : vector<1x16xf32> to vector<16xf32>
        %swap3A_302 = arith.index_cast %scan3A_270 : i32 to index
        %swap3A_303 = arith.constant 48 : index
        %swap3A_304 = tpu.vector_load %arg7[%swap3A_302, %swap3A_303] {strides = array<i32>} : memref<256x64xf32, #tpu.memory_space<vmem>>, vector<1x16xf32>,
        %swap3A_305 = vector.shape_cast %swap3A_304 : vector<1x16xf32> to vector<16xf32>
        %swap3A_306 = vector.shape_cast %get3A_301 : vector<16xf32> to vector<1x16xf32>
        tpu.vector_store %arg7[%swap3A_302, %swap3A_303], %swap3A_306 {add = true, strides = array<i32>} : memref<256x64xf32, #tpu.memory_space<vmem>>, vector<1x16xf32>,
        %eq3A_307 = arith.constant 199 : i32
        %eq3A_308 = arith.cmpi eq, %select_n3A_268, %eq3A_307 : i32
        %add3A_309 = arith.constant 1 : i32
        %add3A_310 = arith.addi %select_n3A_268, %add3A_309 : i32
        %select_n3A_311 = arith.constant 0 : i32
        %select_n3A_312 = arith.select %eq3A_308, %select_n3A_311, %add3A_310 : i32
        scf.yield %select_n3A_312 : i32
      }
      %scan3A_83 = arith.constant 256 : i32
      %mul3A_84 = arith.constant 256 : i32
      %mul3A_85 = arith.muli %add3A_54, %mul3A_84 : i32
      %add3A_86 = arith.addi %mul3A_2, %mul3A_85 : i32
      %multiple_of3A_87 = tpu.assume_multiple %add3A_86, 8 : i32
      %dma_start3A_88 = arith.constant 0 : i32
      %dma_start3A_89 = tpu.memref_slice %arg5[%multiple_of3A_87, %dma_start3A_88] : memref<819200x64xf32, #tpu.memory_space<hbm>> -> memref<256x64xf32, #tpu.memory_space<hbm>>
      %dma_start3A_90 = arith.constant 0 : i32
      %dma_start3A_91 = tpu.memref_slice %arg5[%multiple_of3A_87, %dma_start3A_90] : memref<819200x64xf32, #tpu.memory_space<hbm>> -> memref<256x64xf32, #tpu.memory_space<hbm>>
      tpu.enqueue_dma source(%arg7 : memref<256x64xf32, #tpu.memory_space<vmem>>) target(%dma_start3A_91 : memref<256x64xf32, #tpu.memory_space<hbm>>) target_semaphore(%arg17 : memref<!tpu.dma_semaphore, #tpu.memory_space<semaphore_mem>>)
      %mul3A_92 = arith.constant 4 : i32
      %mul3A_93 = arith.muli %mul3A_92, %scan3A_49 : i32
      %add3A_94 = arith.constant 1 : i32
      %add3A_95 = arith.addi %mul3A_93, %add3A_94 : i32
      %ge3A_96 = arith.constant 2 : i32
      %ge3A_97 = arith.cmpi sge, %add3A_95, %ge3A_96 : i32
      %add3A_98 = arith.constant 2 : i32
      %add3A_99 = arith.addi %add3A_95, %add3A_98 : i32
      %lt3A_100 = arith.constant 100 : i32
      %lt3A_101 = arith.cmpi slt, %add3A_99, %lt3A_100 : i32
      %and3A_102 = arith.andi %ge3A_97, %lt3A_101 : i1
      %convert_element_type3A_103 = arith.extui %and3A_102 : i1 to i32
      %cond3A_104 = arith.constant 0 : i32
      %cond3A_105 = arith.cmpi ne, %convert_element_type3A_103, %cond3A_104 : i32
      scf.if %cond3A_105 {
        %add3A_228 = arith.constant 2 : i32
        %add3A_229 = arith.addi %add3A_95, %add3A_228 : i32
        %sub3A = arith.constant 4 : i32
        %sub3A_230 = arith.subi %add3A_229, %sub3A : i32
        %mul3A_231 = arith.constant 256 : i32
        %mul3A_232 = arith.muli %sub3A_230, %mul3A_231 : i32
        %add3A_233 = arith.addi %mul3A_2, %mul3A_232 : i32
        %multiple_of3A_234 = tpu.assume_multiple %add3A_233, 8 : i32
        %dma_wait3A_235 = arith.constant 0 : i32
        %dma_wait3A_236 = tpu.memref_slice %arg5[%multiple_of3A_234, %dma_wait3A_235] : memref<819200x64xf32, #tpu.memory_space<hbm>> -> memref<256x64xf32, #tpu.memory_space<hbm>>
        %dma_wait3A_237 = arith.constant 0 : i32
        %dma_wait3A_238 = tpu.memref_slice %arg5[%multiple_of3A_234, %dma_wait3A_237] : memref<819200x64xf32, #tpu.memory_space<hbm>> -> memref<256x64xf32, #tpu.memory_space<hbm>>
        tpu.wait_dma2 semaphore(%arg20 : memref<!tpu.dma_semaphore, #tpu.memory_space<semaphore_mem>>) src(%arg10 : memref<256x64xf32, #tpu.memory_space<vmem>>) dst(%dma_wait3A_238 : memref<256x64xf32, #tpu.memory_space<hbm>>)
      } else {
      }
      %add3A_106 = arith.constant 2 : i32
      %add3A_107 = arith.addi %add3A_95, %add3A_106 : i32
      %lt3A_108 = arith.constant 100 : i32
      %lt3A_109 = arith.cmpi slt, %add3A_107, %lt3A_108 : i32
      %convert_element_type3A_110 = arith.extui %lt3A_109 : i1 to i32
      %cond3A_111 = arith.constant 0 : i32
      %cond3A_112 = arith.cmpi ne, %convert_element_type3A_110, %cond3A_111 : i32
      scf.if %cond3A_112 {
        %add3A_228 = arith.constant 2 : i32
        %add3A_229 = arith.addi %add3A_95, %add3A_228 : i32
        %mul3A_230 = arith.constant 256 : i32
        %mul3A_231 = arith.muli %add3A_229, %mul3A_230 : i32
        %dma_start3A_232 = tpu.memref_slice %arg6[%mul3A_231] : memref<25600xi32, #tpu.memory_space<vmem>> -> memref<256xi32, #tpu.memory_space<vmem>>
        %dma_start3A_233 = arith.constant 0 : i32
        %dma_start3A_234 = arith.constant 0 : i32
        %dma_start3A_235 = tpu.memref_slice %arg12[%dma_start3A_233, %dma_start3A_234] : memref<1000x64xf32, #tpu.memory_space<vmem_shared>> -> memref<1000x64xf32, #tpu.memory_space<vmem_shared>>
        tpu.enqueue_indirect_dma source(%dma_start3A_235 : memref<1000x64xf32, #tpu.memory_space<vmem_shared>>) target(%arg10 : memref<256x64xf32, #tpu.memory_space<vmem>>) offsets(%dma_start3A_232 : memref<256xi32, #tpu.memory_space<vmem>>) semaphore(%arg16 : memref<!tpu.dma_semaphore, #tpu.memory_space<semaphore_mem>>)
      } else {
      }
      %mul3A_113 = arith.constant 256 : i32
      %mul3A_114 = arith.muli %add3A_95, %mul3A_113 : i32
      %dma_wait3A_115 = tpu.memref_slice %arg6[%mul3A_114] : memref<25600xi32, #tpu.memory_space<vmem>> -> memref<256xi32, #tpu.memory_space<vmem>>
      %dma_wait3A_116 = arith.constant 0 : i32
      %dma_wait3A_117 = arith.constant 0 : i32
      %dma_wait3A_118 = tpu.memref_slice %arg12[%dma_wait3A_116, %dma_wait3A_117] : memref<1000x64xf32, #tpu.memory_space<vmem_shared>> -> memref<1000x64xf32, #tpu.memory_space<vmem_shared>>
      tpu.wait_indirect_dma semaphore(%arg14 : memref<!tpu.dma_semaphore, #tpu.memory_space<semaphore_mem>>) src(%dma_wait3A_118 : memref<1000x64xf32, #tpu.memory_space<vmem_shared>>) dst(%arg8 : memref<256x64xf32, #tpu.memory_space<vmem>>)
      %mul3A_119 = arith.constant 256 : i32
      %mul3A_120 = arith.muli %mul3A_119, %add3A_95 : i32
      %rem3A_121 = arith.constant 200 : i32
      %rem3A_122 = arith.remsi %mul3A_120, %rem3A_121 : i32
      %scan3A_123 = arith.constant 0 : i32
      %scan3A_124 = arith.constant 256 : i32
      %scan3A_125 = arith.addi %scan3A_123, %scan3A_124 : i32
      %scan3A_126 = arith.constant 2 : i32
      %scan3A_127 = scf.for %scan3A_228 = %scan3A_123 to %scan3A_125 step %scan3A_126 iter_args(%scan3A_229 = %rem3A_122) -> (i32)  : i32 {
        %get3A = arith.index_cast %scan3A_229 : i32 to index
        %get3A_230 = arith.constant 0 : index
        %get3A_231 = tpu.vector_load %arg11[%get3A, %get3A_230] {strides = array<i32>} : memref<200x64xf32, #tpu.memory_space<vmem>>, vector<1x16xf32>,
        %get3A_232 = vector.shape_cast %get3A_231 : vector<1x16xf32> to vector<16xf32>
        %swap3A = arith.index_cast %scan3A_228 : i32 to index
        %swap3A_233 = arith.constant 0 : index
        %swap3A_234 = tpu.vector_load %arg8[%swap3A, %swap3A_233] {strides = array<i32>} : memref<256x64xf32, #tpu.memory_space<vmem>>, vector<1x16xf32>,
        %swap3A_235 = vector.shape_cast %swap3A_234 : vector<1x16xf32> to vector<16xf32>
        %swap3A_236 = vector.shape_cast %get3A_232 : vector<16xf32> to vector<1x16xf32>
        tpu.vector_store %arg8[%swap3A, %swap3A_233], %swap3A_236 {add = true, strides = array<i32>} : memref<256x64xf32, #tpu.memory_space<vmem>>, vector<1x16xf32>,
        %get3A_237 = arith.index_cast %scan3A_229 : i32 to index
        %get3A_238 = arith.constant 16 : index
        %get3A_239 = tpu.vector_load %arg11[%get3A_237, %get3A_238] {strides = array<i32>} : memref<200x64xf32, #tpu.memory_space<vmem>>, vector<1x16xf32>,
        %get3A_240 = vector.shape_cast %get3A_239 : vector<1x16xf32> to vector<16xf32>
        %swap3A_241 = arith.index_cast %scan3A_228 : i32 to index
        %swap3A_242 = arith.constant 16 : index
        %swap3A_243 = tpu.vector_load %arg8[%swap3A_241, %swap3A_242] {strides = array<i32>} : memref<256x64xf32, #tpu.memory_space<vmem>>, vector<1x16xf32>,
        %swap3A_244 = vector.shape_cast %swap3A_243 : vector<1x16xf32> to vector<16xf32>
        %swap3A_245 = vector.shape_cast %get3A_240 : vector<16xf32> to vector<1x16xf32>
        tpu.vector_store %arg8[%swap3A_241, %swap3A_242], %swap3A_245 {add = true, strides = array<i32>} : memref<256x64xf32, #tpu.memory_space<vmem>>, vector<1x16xf32>,
        %get3A_246 = arith.index_cast %scan3A_229 : i32 to index
        %get3A_247 = arith.constant 32 : index
        %get3A_248 = tpu.vector_load %arg11[%get3A_246, %get3A_247] {strides = array<i32>} : memref<200x64xf32, #tpu.memory_space<vmem>>, vector<1x16xf32>,
        %get3A_249 = vector.shape_cast %get3A_248 : vector<1x16xf32> to vector<16xf32>
        %swap3A_250 = arith.index_cast %scan3A_228 : i32 to index
        %swap3A_251 = arith.constant 32 : index
        %swap3A_252 = tpu.vector_load %arg8[%swap3A_250, %swap3A_251] {strides = array<i32>} : memref<256x64xf32, #tpu.memory_space<vmem>>, vector<1x16xf32>,
        %swap3A_253 = vector.shape_cast %swap3A_252 : vector<1x16xf32> to vector<16xf32>
        %swap3A_254 = vector.shape_cast %get3A_249 : vector<16xf32> to vector<1x16xf32>
        tpu.vector_store %arg8[%swap3A_250, %swap3A_251], %swap3A_254 {add = true, strides = array<i32>} : memref<256x64xf32, #tpu.memory_space<vmem>>, vector<1x16xf32>,
        %get3A_255 = arith.index_cast %scan3A_229 : i32 to index
        %get3A_256 = arith.constant 48 : index
        %get3A_257 = tpu.vector_load %arg11[%get3A_255, %get3A_256] {strides = array<i32>} : memref<200x64xf32, #tpu.memory_space<vmem>>, vector<1x16xf32>,
        %get3A_258 = vector.shape_cast %get3A_257 : vector<1x16xf32> to vector<16xf32>
        %swap3A_259 = arith.index_cast %scan3A_228 : i32 to index
        %swap3A_260 = arith.constant 48 : index
        %swap3A_261 = tpu.vector_load %arg8[%swap3A_259, %swap3A_260] {strides = array<i32>} : memref<256x64xf32, #tpu.memory_space<vmem>>, vector<1x16xf32>,
        %swap3A_262 = vector.shape_cast %swap3A_261 : vector<1x16xf32> to vector<16xf32>
        %swap3A_263 = vector.shape_cast %get3A_258 : vector<16xf32> to vector<1x16xf32>
        tpu.vector_store %arg8[%swap3A_259, %swap3A_260], %swap3A_263 {add = true, strides = array<i32>} : memref<256x64xf32, #tpu.memory_space<vmem>>, vector<1x16xf32>,
        %eq3A_264 = arith.constant 199 : i32
        %eq3A_265 = arith.cmpi eq, %scan3A_229, %eq3A_264 : i32
        %add3A_266 = arith.constant 1 : i32
        %add3A_267 = arith.addi %scan3A_229, %add3A_266 : i32
        %select_n3A = arith.constant 0 : i32
        %select_n3A_268 = arith.select %eq3A_265, %select_n3A, %add3A_267 : i32
        %scan3A_269 = arith.constant 1 : i32
        %scan3A_270 = arith.addi %scan3A_228, %scan3A_269 : i32
        %get3A_271 = arith.index_cast %select_n3A_268 : i32 to index
        %get3A_272 = arith.constant 0 : index
        %get3A_273 = tpu.vector_load %arg11[%get3A_271, %get3A_272] {strides = array<i32>} : memref<200x64xf32, #tpu.memory_space<vmem>>, vector<1x16xf32>,
        %get3A_274 = vector.shape_cast %get3A_273 : vector<1x16xf32> to vector<16xf32>
        %swap3A_275 = arith.index_cast %scan3A_270 : i32 to index
        %swap3A_276 = arith.constant 0 : index
        %swap3A_277 = tpu.vector_load %arg8[%swap3A_275, %swap3A_276] {strides = array<i32>} : memref<256x64xf32, #tpu.memory_space<vmem>>, vector<1x16xf32>,
        %swap3A_278 = vector.shape_cast %swap3A_277 : vector<1x16xf32> to vector<16xf32>
        %swap3A_279 = vector.shape_cast %get3A_274 : vector<16xf32> to vector<1x16xf32>
        tpu.vector_store %arg8[%swap3A_275, %swap3A_276], %swap3A_279 {add = true, strides = array<i32>} : memref<256x64xf32, #tpu.memory_space<vmem>>, vector<1x16xf32>,
        %get3A_280 = arith.index_cast %select_n3A_268 : i32 to index
        %get3A_281 = arith.constant 16 : index
        %get3A_282 = tpu.vector_load %arg11[%get3A_280, %get3A_281] {strides = array<i32>} : memref<200x64xf32, #tpu.memory_space<vmem>>, vector<1x16xf32>,
        %get3A_283 = vector.shape_cast %get3A_282 : vector<1x16xf32> to vector<16xf32>
        %swap3A_284 = arith.index_cast %scan3A_270 : i32 to index
        %swap3A_285 = arith.constant 16 : index
        %swap3A_286 = tpu.vector_load %arg8[%swap3A_284, %swap3A_285] {strides = array<i32>} : memref<256x64xf32, #tpu.memory_space<vmem>>, vector<1x16xf32>,
        %swap3A_287 = vector.shape_cast %swap3A_286 : vector<1x16xf32> to vector<16xf32>
        %swap3A_288 = vector.shape_cast %get3A_283 : vector<16xf32> to vector<1x16xf32>
        tpu.vector_store %arg8[%swap3A_284, %swap3A_285], %swap3A_288 {add = true, strides = array<i32>} : memref<256x64xf32, #tpu.memory_space<vmem>>, vector<1x16xf32>,
        %get3A_289 = arith.index_cast %select_n3A_268 : i32 to index
        %get3A_290 = arith.constant 32 : index
        %get3A_291 = tpu.vector_load %arg11[%get3A_289, %get3A_290] {strides = array<i32>} : memref<200x64xf32, #tpu.memory_space<vmem>>, vector<1x16xf32>,
        %get3A_292 = vector.shape_cast %get3A_291 : vector<1x16xf32> to vector<16xf32>
        %swap3A_293 = arith.index_cast %scan3A_270 : i32 to index
        %swap3A_294 = arith.constant 32 : index
        %swap3A_295 = tpu.vector_load %arg8[%swap3A_293, %swap3A_294] {strides = array<i32>} : memref<256x64xf32, #tpu.memory_space<vmem>>, vector<1x16xf32>,
        %swap3A_296 = vector.shape_cast %swap3A_295 : vector<1x16xf32> to vector<16xf32>
        %swap3A_297 = vector.shape_cast %get3A_292 : vector<16xf32> to vector<1x16xf32>
        tpu.vector_store %arg8[%swap3A_293, %swap3A_294], %swap3A_297 {add = true, strides = array<i32>} : memref<256x64xf32, #tpu.memory_space<vmem>>, vector<1x16xf32>,
        %get3A_298 = arith.index_cast %select_n3A_268 : i32 to index
        %get3A_299 = arith.constant 48 : index
        %get3A_300 = tpu.vector_load %arg11[%get3A_298, %get3A_299] {strides = array<i32>} : memref<200x64xf32, #tpu.memory_space<vmem>>, vector<1x16xf32>,
        %get3A_301 = vector.shape_cast %get3A_300 : vector<1x16xf32> to vector<16xf32>
        %swap3A_302 = arith.index_cast %scan3A_270 : i32 to index
        %swap3A_303 = arith.constant 48 : index
        %swap3A_304 = tpu.vector_load %arg8[%swap3A_302, %swap3A_303] {strides = array<i32>} : memref<256x64xf32, #tpu.memory_space<vmem>>, vector<1x16xf32>,
        %swap3A_305 = vector.shape_cast %swap3A_304 : vector<1x16xf32> to vector<16xf32>
        %swap3A_306 = vector.shape_cast %get3A_301 : vector<16xf32> to vector<1x16xf32>
        tpu.vector_store %arg8[%swap3A_302, %swap3A_303], %swap3A_306 {add = true, strides = array<i32>} : memref<256x64xf32, #tpu.memory_space<vmem>>, vector<1x16xf32>,
        %eq3A_307 = arith.constant 199 : i32
        %eq3A_308 = arith.cmpi eq, %select_n3A_268, %eq3A_307 : i32
        %add3A_309 = arith.constant 1 : i32
        %add3A_310 = arith.addi %select_n3A_268, %add3A_309 : i32
        %select_n3A_311 = arith.constant 0 : i32
        %select_n3A_312 = arith.select %eq3A_308, %select_n3A_311, %add3A_310 : i32
        scf.yield %select_n3A_312 : i32
      }
      %scan3A_128 = arith.constant 256 : i32
      %mul3A_129 = arith.constant 256 : i32
      %mul3A_130 = arith.muli %add3A_95, %mul3A_129 : i32
      %add3A_131 = arith.addi %mul3A_2, %mul3A_130 : i32
      %multiple_of3A_132 = tpu.assume_multiple %add3A_131, 8 : i32
      %dma_start3A_133 = arith.constant 0 : i32
      %dma_start3A_134 = tpu.memref_slice %arg5[%multiple_of3A_132, %dma_start3A_133] : memref<819200x64xf32, #tpu.memory_space<hbm>> -> memref<256x64xf32, #tpu.memory_space<hbm>>
      %dma_start3A_135 = arith.constant 0 : i32
      %dma_start3A_136 = tpu.memref_slice %arg5[%multiple_of3A_132, %dma_start3A_135] : memref<819200x64xf32, #tpu.memory_space<hbm>> -> memref<256x64xf32, #tpu.memory_space<hbm>>
      tpu.enqueue_dma source(%arg8 : memref<256x64xf32, #tpu.memory_space<vmem>>) target(%dma_start3A_136 : memref<256x64xf32, #tpu.memory_space<hbm>>) target_semaphore(%arg18 : memref<!tpu.dma_semaphore, #tpu.memory_space<semaphore_mem>>)
      %mul3A_137 = arith.constant 4 : i32
      %mul3A_138 = arith.muli %mul3A_137, %scan3A_49 : i32
      %add3A_139 = arith.constant 2 : i32
      %add3A_140 = arith.addi %mul3A_138, %add3A_139 : i32
      %ge3A_141 = arith.constant 2 : i32
      %ge3A_142 = arith.cmpi sge, %add3A_140, %ge3A_141 : i32
      %add3A_143 = arith.constant 2 : i32
      %add3A_144 = arith.addi %add3A_140, %add3A_143 : i32
      %lt3A_145 = arith.constant 100 : i32
      %lt3A_146 = arith.cmpi slt, %add3A_144, %lt3A_145 : i32
      %and3A_147 = arith.andi %ge3A_142, %lt3A_146 : i1
      %convert_element_type3A_148 = arith.extui %and3A_147 : i1 to i32
      %cond3A_149 = arith.constant 0 : i32
      %cond3A_150 = arith.cmpi ne, %convert_element_type3A_148, %cond3A_149 : i32
      scf.if %cond3A_150 {
        %add3A_228 = arith.constant 2 : i32
        %add3A_229 = arith.addi %add3A_140, %add3A_228 : i32
        %sub3A = arith.constant 4 : i32
        %sub3A_230 = arith.subi %add3A_229, %sub3A : i32
        %mul3A_231 = arith.constant 256 : i32
        %mul3A_232 = arith.muli %sub3A_230, %mul3A_231 : i32
        %add3A_233 = arith.addi %mul3A_2, %mul3A_232 : i32
        %multiple_of3A_234 = tpu.assume_multiple %add3A_233, 8 : i32
        %dma_wait3A_235 = arith.constant 0 : i32
        %dma_wait3A_236 = tpu.memref_slice %arg5[%multiple_of3A_234, %dma_wait3A_235] : memref<819200x64xf32, #tpu.memory_space<hbm>> -> memref<256x64xf32, #tpu.memory_space<hbm>>
        %dma_wait3A_237 = arith.constant 0 : i32
        %dma_wait3A_238 = tpu.memref_slice %arg5[%multiple_of3A_234, %dma_wait3A_237] : memref<819200x64xf32, #tpu.memory_space<hbm>> -> memref<256x64xf32, #tpu.memory_space<hbm>>
        tpu.wait_dma2 semaphore(%arg17 : memref<!tpu.dma_semaphore, #tpu.memory_space<semaphore_mem>>) src(%arg7 : memref<256x64xf32, #tpu.memory_space<vmem>>) dst(%dma_wait3A_238 : memref<256x64xf32, #tpu.memory_space<hbm>>)
      } else {
      }
      %add3A_151 = arith.constant 2 : i32
      %add3A_152 = arith.addi %add3A_140, %add3A_151 : i32
      %lt3A_153 = arith.constant 100 : i32
      %lt3A_154 = arith.cmpi slt, %add3A_152, %lt3A_153 : i32
      %convert_element_type3A_155 = arith.extui %lt3A_154 : i1 to i32
      %cond3A_156 = arith.constant 0 : i32
      %cond3A_157 = arith.cmpi ne, %convert_element_type3A_155, %cond3A_156 : i32
      scf.if %cond3A_157 {
        %add3A_228 = arith.constant 2 : i32
        %add3A_229 = arith.addi %add3A_140, %add3A_228 : i32
        %mul3A_230 = arith.constant 256 : i32
        %mul3A_231 = arith.muli %add3A_229, %mul3A_230 : i32
        %dma_start3A_232 = tpu.memref_slice %arg6[%mul3A_231] : memref<25600xi32, #tpu.memory_space<vmem>> -> memref<256xi32, #tpu.memory_space<vmem>>
        %dma_start3A_233 = arith.constant 0 : i32
        %dma_start3A_234 = arith.constant 0 : i32
        %dma_start3A_235 = tpu.memref_slice %arg12[%dma_start3A_233, %dma_start3A_234] : memref<1000x64xf32, #tpu.memory_space<vmem_shared>> -> memref<1000x64xf32, #tpu.memory_space<vmem_shared>>
        tpu.enqueue_indirect_dma source(%dma_start3A_235 : memref<1000x64xf32, #tpu.memory_space<vmem_shared>>) target(%arg7 : memref<256x64xf32, #tpu.memory_space<vmem>>) offsets(%dma_start3A_232 : memref<256xi32, #tpu.memory_space<vmem>>) semaphore(%arg13 : memref<!tpu.dma_semaphore, #tpu.memory_space<semaphore_mem>>)
      } else {
      }
      %mul3A_158 = arith.constant 256 : i32
      %mul3A_159 = arith.muli %add3A_140, %mul3A_158 : i32
      %dma_wait3A_160 = tpu.memref_slice %arg6[%mul3A_159] : memref<25600xi32, #tpu.memory_space<vmem>> -> memref<256xi32, #tpu.memory_space<vmem>>
      %dma_wait3A_161 = arith.constant 0 : i32
      %dma_wait3A_162 = arith.constant 0 : i32
      %dma_wait3A_163 = tpu.memref_slice %arg12[%dma_wait3A_161, %dma_wait3A_162] : memref<1000x64xf32, #tpu.memory_space<vmem_shared>> -> memref<1000x64xf32, #tpu.memory_space<vmem_shared>>
      tpu.wait_indirect_dma semaphore(%arg15 : memref<!tpu.dma_semaphore, #tpu.memory_space<semaphore_mem>>) src(%dma_wait3A_163 : memref<1000x64xf32, #tpu.memory_space<vmem_shared>>) dst(%arg9 : memref<256x64xf32, #tpu.memory_space<vmem>>)
      %mul3A_164 = arith.constant 256 : i32
      %mul3A_165 = arith.muli %mul3A_164, %add3A_140 : i32
      %rem3A_166 = arith.constant 200 : i32
      %rem3A_167 = arith.remsi %mul3A_165, %rem3A_166 : i32
      %scan3A_168 = arith.constant 0 : i32
      %scan3A_169 = arith.constant 256 : i32
      %scan3A_170 = arith.addi %scan3A_168, %scan3A_169 : i32
      %scan3A_171 = arith.constant 2 : i32
      %scan3A_172 = scf.for %scan3A_228 = %scan3A_168 to %scan3A_170 step %scan3A_171 iter_args(%scan3A_229 = %rem3A_167) -> (i32)  : i32 {
        %get3A = arith.index_cast %scan3A_229 : i32 to index
        %get3A_230 = arith.constant 0 : index
        %get3A_231 = tpu.vector_load %arg11[%get3A, %get3A_230] {strides = array<i32>} : memref<200x64xf32, #tpu.memory_space<vmem>>, vector<1x16xf32>,
        %get3A_232 = vector.shape_cast %get3A_231 : vector<1x16xf32> to vector<16xf32>
        %swap3A = arith.index_cast %scan3A_228 : i32 to index
        %swap3A_233 = arith.constant 0 : index
        %swap3A_234 = tpu.vector_load %arg9[%swap3A, %swap3A_233] {strides = array<i32>} : memref<256x64xf32, #tpu.memory_space<vmem>>, vector<1x16xf32>,
        %swap3A_235 = vector.shape_cast %swap3A_234 : vector<1x16xf32> to vector<16xf32>
        %swap3A_236 = vector.shape_cast %get3A_232 : vector<16xf32> to vector<1x16xf32>
        tpu.vector_store %arg9[%swap3A, %swap3A_233], %swap3A_236 {add = true, strides = array<i32>} : memref<256x64xf32, #tpu.memory_space<vmem>>, vector<1x16xf32>,
        %get3A_237 = arith.index_cast %scan3A_229 : i32 to index
        %get3A_238 = arith.constant 16 : index
        %get3A_239 = tpu.vector_load %arg11[%get3A_237, %get3A_238] {strides = array<i32>} : memref<200x64xf32, #tpu.memory_space<vmem>>, vector<1x16xf32>,
        %get3A_240 = vector.shape_cast %get3A_239 : vector<1x16xf32> to vector<16xf32>
        %swap3A_241 = arith.index_cast %scan3A_228 : i32 to index
        %swap3A_242 = arith.constant 16 : index
        %swap3A_243 = tpu.vector_load %arg9[%swap3A_241, %swap3A_242] {strides = array<i32>} : memref<256x64xf32, #tpu.memory_space<vmem>>, vector<1x16xf32>,
        %swap3A_244 = vector.shape_cast %swap3A_243 : vector<1x16xf32> to vector<16xf32>
        %swap3A_245 = vector.shape_cast %get3A_240 : vector<16xf32> to vector<1x16xf32>
        tpu.vector_store %arg9[%swap3A_241, %swap3A_242], %swap3A_245 {add = true, strides = array<i32>} : memref<256x64xf32, #tpu.memory_space<vmem>>, vector<1x16xf32>,
        %get3A_246 = arith.index_cast %scan3A_229 : i32 to index
        %get3A_247 = arith.constant 32 : index
        %get3A_248 = tpu.vector_load %arg11[%get3A_246, %get3A_247] {strides = array<i32>} : memref<200x64xf32, #tpu.memory_space<vmem>>, vector<1x16xf32>,
        %get3A_249 = vector.shape_cast %get3A_248 : vector<1x16xf32> to vector<16xf32>
        %swap3A_250 = arith.index_cast %scan3A_228 : i32 to index
        %swap3A_251 = arith.constant 32 : index
        %swap3A_252 = tpu.vector_load %arg9[%swap3A_250, %swap3A_251] {strides = array<i32>} : memref<256x64xf32, #tpu.memory_space<vmem>>, vector<1x16xf32>,
        %swap3A_253 = vector.shape_cast %swap3A_252 : vector<1x16xf32> to vector<16xf32>
        %swap3A_254 = vector.shape_cast %get3A_249 : vector<16xf32> to vector<1x16xf32>
        tpu.vector_store %arg9[%swap3A_250, %swap3A_251], %swap3A_254 {add = true, strides = array<i32>} : memref<256x64xf32, #tpu.memory_space<vmem>>, vector<1x16xf32>,
        %get3A_255 = arith.index_cast %scan3A_229 : i32 to index
        %get3A_256 = arith.constant 48 : index
        %get3A_257 = tpu.vector_load %arg11[%get3A_255, %get3A_256] {strides = array<i32>} : memref<200x64xf32, #tpu.memory_space<vmem>>, vector<1x16xf32>,
        %get3A_258 = vector.shape_cast %get3A_257 : vector<1x16xf32> to vector<16xf32>
        %swap3A_259 = arith.index_cast %scan3A_228 : i32 to index
        %swap3A_260 = arith.constant 48 : index
        %swap3A_261 = tpu.vector_load %arg9[%swap3A_259, %swap3A_260] {strides = array<i32>} : memref<256x64xf32, #tpu.memory_space<vmem>>, vector<1x16xf32>,
        %swap3A_262 = vector.shape_cast %swap3A_261 : vector<1x16xf32> to vector<16xf32>
        %swap3A_263 = vector.shape_cast %get3A_258 : vector<16xf32> to vector<1x16xf32>
        tpu.vector_store %arg9[%swap3A_259, %swap3A_260], %swap3A_263 {add = true, strides = array<i32>} : memref<256x64xf32, #tpu.memory_space<vmem>>, vector<1x16xf32>,
        %eq3A_264 = arith.constant 199 : i32
        %eq3A_265 = arith.cmpi eq, %scan3A_229, %eq3A_264 : i32
        %add3A_266 = arith.constant 1 : i32
        %add3A_267 = arith.addi %scan3A_229, %add3A_266 : i32
        %select_n3A = arith.constant 0 : i32
        %select_n3A_268 = arith.select %eq3A_265, %select_n3A, %add3A_267 : i32
        %scan3A_269 = arith.constant 1 : i32
        %scan3A_270 = arith.addi %scan3A_228, %scan3A_269 : i32
        %get3A_271 = arith.index_cast %select_n3A_268 : i32 to index
        %get3A_272 = arith.constant 0 : index
        %get3A_273 = tpu.vector_load %arg11[%get3A_271, %get3A_272] {strides = array<i32>} : memref<200x64xf32, #tpu.memory_space<vmem>>, vector<1x16xf32>,
        %get3A_274 = vector.shape_cast %get3A_273 : vector<1x16xf32> to vector<16xf32>
        %swap3A_275 = arith.index_cast %scan3A_270 : i32 to index
        %swap3A_276 = arith.constant 0 : index
        %swap3A_277 = tpu.vector_load %arg9[%swap3A_275, %swap3A_276] {strides = array<i32>} : memref<256x64xf32, #tpu.memory_space<vmem>>, vector<1x16xf32>,
        %swap3A_278 = vector.shape_cast %swap3A_277 : vector<1x16xf32> to vector<16xf32>
        %swap3A_279 = vector.shape_cast %get3A_274 : vector<16xf32> to vector<1x16xf32>
        tpu.vector_store %arg9[%swap3A_275, %swap3A_276], %swap3A_279 {add = true, strides = array<i32>} : memref<256x64xf32, #tpu.memory_space<vmem>>, vector<1x16xf32>,
        %get3A_280 = arith.index_cast %select_n3A_268 : i32 to index
        %get3A_281 = arith.constant 16 : index
        %get3A_282 = tpu.vector_load %arg11[%get3A_280, %get3A_281] {strides = array<i32>} : memref<200x64xf32, #tpu.memory_space<vmem>>, vector<1x16xf32>,
        %get3A_283 = vector.shape_cast %get3A_282 : vector<1x16xf32> to vector<16xf32>
        %swap3A_284 = arith.index_cast %scan3A_270 : i32 to index
        %swap3A_285 = arith.constant 16 : index
        %swap3A_286 = tpu.vector_load %arg9[%swap3A_284, %swap3A_285] {strides = array<i32>} : memref<256x64xf32, #tpu.memory_space<vmem>>, vector<1x16xf32>,
        %swap3A_287 = vector.shape_cast %swap3A_286 : vector<1x16xf32> to vector<16xf32>
        %swap3A_288 = vector.shape_cast %get3A_283 : vector<16xf32> to vector<1x16xf32>
        tpu.vector_store %arg9[%swap3A_284, %swap3A_285], %swap3A_288 {add = true, strides = array<i32>} : memref<256x64xf32, #tpu.memory_space<vmem>>, vector<1x16xf32>,
        %get3A_289 = arith.index_cast %select_n3A_268 : i32 to index
        %get3A_290 = arith.constant 32 : index
        %get3A_291 = tpu.vector_load %arg11[%get3A_289, %get3A_290] {strides = array<i32>} : memref<200x64xf32, #tpu.memory_space<vmem>>, vector<1x16xf32>,
        %get3A_292 = vector.shape_cast %get3A_291 : vector<1x16xf32> to vector<16xf32>
        %swap3A_293 = arith.index_cast %scan3A_270 : i32 to index
        %swap3A_294 = arith.constant 32 : index
        %swap3A_295 = tpu.vector_load %arg9[%swap3A_293, %swap3A_294] {strides = array<i32>} : memref<256x64xf32, #tpu.memory_space<vmem>>, vector<1x16xf32>,
        %swap3A_296 = vector.shape_cast %swap3A_295 : vector<1x16xf32> to vector<16xf32>
        %swap3A_297 = vector.shape_cast %get3A_292 : vector<16xf32> to vector<1x16xf32>
        tpu.vector_store %arg9[%swap3A_293, %swap3A_294], %swap3A_297 {add = true, strides = array<i32>} : memref<256x64xf32, #tpu.memory_space<vmem>>, vector<1x16xf32>,
        %get3A_298 = arith.index_cast %select_n3A_268 : i32 to index
        %get3A_299 = arith.constant 48 : index
        %get3A_300 = tpu.vector_load %arg11[%get3A_298, %get3A_299] {strides = array<i32>} : memref<200x64xf32, #tpu.memory_space<vmem>>, vector<1x16xf32>,
        %get3A_301 = vector.shape_cast %get3A_300 : vector<1x16xf32> to vector<16xf32>
        %swap3A_302 = arith.index_cast %scan3A_270 : i32 to index
        %swap3A_303 = arith.constant 48 : index
        %swap3A_304 = tpu.vector_load %arg9[%swap3A_302, %swap3A_303] {strides = array<i32>} : memref<256x64xf32, #tpu.memory_space<vmem>>, vector<1x16xf32>,
        %swap3A_305 = vector.shape_cast %swap3A_304 : vector<1x16xf32> to vector<16xf32>
        %swap3A_306 = vector.shape_cast %get3A_301 : vector<16xf32> to vector<1x16xf32>
        tpu.vector_store %arg9[%swap3A_302, %swap3A_303], %swap3A_306 {add = true, strides = array<i32>} : memref<256x64xf32, #tpu.memory_space<vmem>>, vector<1x16xf32>,
        %eq3A_307 = arith.constant 199 : i32
        %eq3A_308 = arith.cmpi eq, %select_n3A_268, %eq3A_307 : i32
        %add3A_309 = arith.constant 1 : i32
        %add3A_310 = arith.addi %select_n3A_268, %add3A_309 : i32
        %select_n3A_311 = arith.constant 0 : i32
        %select_n3A_312 = arith.select %eq3A_308, %select_n3A_311, %add3A_310 : i32
        scf.yield %select_n3A_312 : i32
      }
      %scan3A_173 = arith.constant 256 : i32
      %mul3A_174 = arith.constant 256 : i32
      %mul3A_175 = arith.muli %add3A_140, %mul3A_174 : i32
      %add3A_176 = arith.addi %mul3A_2, %mul3A_175 : i32
      %multiple_of3A_177 = tpu.assume_multiple %add3A_176, 8 : i32
      %dma_start3A_178 = arith.constant 0 : i32
      %dma_start3A_179 = tpu.memref_slice %arg5[%multiple_of3A_177, %dma_start3A_178] : memref<819200x64xf32, #tpu.memory_space<hbm>> -> memref<256x64xf32, #tpu.memory_space<hbm>>
      %dma_start3A_180 = arith.constant 0 : i32
      %dma_start3A_181 = tpu.memref_slice %arg5[%multiple_of3A_177, %dma_start3A_180] : memref<819200x64xf32, #tpu.memory_space<hbm>> -> memref<256x64xf32, #tpu.memory_space<hbm>>
      tpu.enqueue_dma source(%arg9 : memref<256x64xf32, #tpu.memory_space<vmem>>) target(%dma_start3A_181 : memref<256x64xf32, #tpu.memory_space<hbm>>) target_semaphore(%arg19 : memref<!tpu.dma_semaphore, #tpu.memory_space<semaphore_mem>>)
      %mul3A_182 = arith.constant 4 : i32
      %mul3A_183 = arith.muli %mul3A_182, %scan3A_49 : i32
      %add3A_184 = arith.constant 3 : i32
      %add3A_185 = arith.addi %mul3A_183, %add3A_184 : i32
      %ge3A_186 = arith.constant 2 : i32
      %ge3A_187 = arith.cmpi sge, %add3A_185, %ge3A_186 : i32
      %add3A_188 = arith.constant 2 : i32
      %add3A_189 = arith.addi %add3A_185, %add3A_188 : i32
      %lt3A_190 = arith.constant 100 : i32
      %lt3A_191 = arith.cmpi slt, %add3A_189, %lt3A_190 : i32
      %and3A_192 = arith.andi %ge3A_187, %lt3A_191 : i1
      %convert_element_type3A_193 = arith.extui %and3A_192 : i1 to i32
      %cond3A_194 = arith.constant 0 : i32
      %cond3A_195 = arith.cmpi ne, %convert_element_type3A_193, %cond3A_194 : i32
      scf.if %cond3A_195 {
        %add3A_228 = arith.constant 2 : i32
        %add3A_229 = arith.addi %add3A_185, %add3A_228 : i32
        %sub3A = arith.constant 4 : i32
        %sub3A_230 = arith.subi %add3A_229, %sub3A : i32
        %mul3A_231 = arith.constant 256 : i32
        %mul3A_232 = arith.muli %sub3A_230, %mul3A_231 : i32
        %add3A_233 = arith.addi %mul3A_2, %mul3A_232 : i32
        %multiple_of3A_234 = tpu.assume_multiple %add3A_233, 8 : i32
        %dma_wait3A_235 = arith.constant 0 : i32
        %dma_wait3A_236 = tpu.memref_slice %arg5[%multiple_of3A_234, %dma_wait3A_235] : memref<819200x64xf32, #tpu.memory_space<hbm>> -> memref<256x64xf32, #tpu.memory_space<hbm>>
        %dma_wait3A_237 = arith.constant 0 : i32
        %dma_wait3A_238 = tpu.memref_slice %arg5[%multiple_of3A_234, %dma_wait3A_237] : memref<819200x64xf32, #tpu.memory_space<hbm>> -> memref<256x64xf32, #tpu.memory_space<hbm>>
        tpu.wait_dma2 semaphore(%arg18 : memref<!tpu.dma_semaphore, #tpu.memory_space<semaphore_mem>>) src(%arg8 : memref<256x64xf32, #tpu.memory_space<vmem>>) dst(%dma_wait3A_238 : memref<256x64xf32, #tpu.memory_space<hbm>>)
      } else {
      }
      %add3A_196 = arith.constant 2 : i32
      %add3A_197 = arith.addi %add3A_185, %add3A_196 : i32
      %lt3A_198 = arith.constant 100 : i32
      %lt3A_199 = arith.cmpi slt, %add3A_197, %lt3A_198 : i32
      %convert_element_type3A_200 = arith.extui %lt3A_199 : i1 to i32
      %cond3A_201 = arith.constant 0 : i32
      %cond3A_202 = arith.cmpi ne, %convert_element_type3A_200, %cond3A_201 : i32
      scf.if %cond3A_202 {
        %add3A_228 = arith.constant 2 : i32
        %add3A_229 = arith.addi %add3A_185, %add3A_228 : i32
        %mul3A_230 = arith.constant 256 : i32
        %mul3A_231 = arith.muli %add3A_229, %mul3A_230 : i32
        %dma_start3A_232 = tpu.memref_slice %arg6[%mul3A_231] : memref<25600xi32, #tpu.memory_space<vmem>> -> memref<256xi32, #tpu.memory_space<vmem>>
        %dma_start3A_233 = arith.constant 0 : i32
        %dma_start3A_234 = arith.constant 0 : i32
        %dma_start3A_235 = tpu.memref_slice %arg12[%dma_start3A_233, %dma_start3A_234] : memref<1000x64xf32, #tpu.memory_space<vmem_shared>> -> memref<1000x64xf32, #tpu.memory_space<vmem_shared>>
        tpu.enqueue_indirect_dma source(%dma_start3A_235 : memref<1000x64xf32, #tpu.memory_space<vmem_shared>>) target(%arg8 : memref<256x64xf32, #tpu.memory_space<vmem>>) offsets(%dma_start3A_232 : memref<256xi32, #tpu.memory_space<vmem>>) semaphore(%arg14 : memref<!tpu.dma_semaphore, #tpu.memory_space<semaphore_mem>>)
      } else {
      }
      %mul3A_203 = arith.constant 256 : i32
      %mul3A_204 = arith.muli %add3A_185, %mul3A_203 : i32
      %dma_wait3A_205 = tpu.memref_slice %arg6[%mul3A_204] : memref<25600xi32, #tpu.memory_space<vmem>> -> memref<256xi32, #tpu.memory_space<vmem>>
      %dma_wait3A_206 = arith.constant 0 : i32
      %dma_wait3A_207 = arith.constant 0 : i32
      %dma_wait3A_208 = tpu.memref_slice %arg12[%dma_wait3A_206, %dma_wait3A_207] : memref<1000x64xf32, #tpu.memory_space<vmem_shared>> -> memref<1000x64xf32, #tpu.memory_space<vmem_shared>>
      tpu.wait_indirect_dma semaphore(%arg16 : memref<!tpu.dma_semaphore, #tpu.memory_space<semaphore_mem>>) src(%dma_wait3A_208 : memref<1000x64xf32, #tpu.memory_space<vmem_shared>>) dst(%arg10 : memref<256x64xf32, #tpu.memory_space<vmem>>)
      %mul3A_209 = arith.constant 256 : i32
      %mul3A_210 = arith.muli %mul3A_209, %add3A_185 : i32
      %rem3A_211 = arith.constant 200 : i32
      %rem3A_212 = arith.remsi %mul3A_210, %rem3A_211 : i32
      %scan3A_213 = arith.constant 0 : i32
      %scan3A_214 = arith.constant 256 : i32
      %scan3A_215 = arith.addi %scan3A_213, %scan3A_214 : i32
      %scan3A_216 = arith.constant 2 : i32
      %scan3A_217 = scf.for %scan3A_228 = %scan3A_213 to %scan3A_215 step %scan3A_216 iter_args(%scan3A_229 = %rem3A_212) -> (i32)  : i32 {
        %get3A = arith.index_cast %scan3A_229 : i32 to index
        %get3A_230 = arith.constant 0 : index
        %get3A_231 = tpu.vector_load %arg11[%get3A, %get3A_230] {strides = array<i32>} : memref<200x64xf32, #tpu.memory_space<vmem>>, vector<1x16xf32>,
        %get3A_232 = vector.shape_cast %get3A_231 : vector<1x16xf32> to vector<16xf32>
        %swap3A = arith.index_cast %scan3A_228 : i32 to index
        %swap3A_233 = arith.constant 0 : index
        %swap3A_234 = tpu.vector_load %arg10[%swap3A, %swap3A_233] {strides = array<i32>} : memref<256x64xf32, #tpu.memory_space<vmem>>, vector<1x16xf32>,
        %swap3A_235 = vector.shape_cast %swap3A_234 : vector<1x16xf32> to vector<16xf32>
        %swap3A_236 = vector.shape_cast %get3A_232 : vector<16xf32> to vector<1x16xf32>
        tpu.vector_store %arg10[%swap3A, %swap3A_233], %swap3A_236 {add = true, strides = array<i32>} : memref<256x64xf32, #tpu.memory_space<vmem>>, vector<1x16xf32>,
        %get3A_237 = arith.index_cast %scan3A_229 : i32 to index
        %get3A_238 = arith.constant 16 : index
        %get3A_239 = tpu.vector_load %arg11[%get3A_237, %get3A_238] {strides = array<i32>} : memref<200x64xf32, #tpu.memory_space<vmem>>, vector<1x16xf32>,
        %get3A_240 = vector.shape_cast %get3A_239 : vector<1x16xf32> to vector<16xf32>
        %swap3A_241 = arith.index_cast %scan3A_228 : i32 to index
        %swap3A_242 = arith.constant 16 : index
        %swap3A_243 = tpu.vector_load %arg10[%swap3A_241, %swap3A_242] {strides = array<i32>} : memref<256x64xf32, #tpu.memory_space<vmem>>, vector<1x16xf32>,
        %swap3A_244 = vector.shape_cast %swap3A_243 : vector<1x16xf32> to vector<16xf32>
        %swap3A_245 = vector.shape_cast %get3A_240 : vector<16xf32> to vector<1x16xf32>
        tpu.vector_store %arg10[%swap3A_241, %swap3A_242], %swap3A_245 {add = true, strides = array<i32>} : memref<256x64xf32, #tpu.memory_space<vmem>>, vector<1x16xf32>,
        %get3A_246 = arith.index_cast %scan3A_229 : i32 to index
        %get3A_247 = arith.constant 32 : index
        %get3A_248 = tpu.vector_load %arg11[%get3A_246, %get3A_247] {strides = array<i32>} : memref<200x64xf32, #tpu.memory_space<vmem>>, vector<1x16xf32>,
        %get3A_249 = vector.shape_cast %get3A_248 : vector<1x16xf32> to vector<16xf32>
        %swap3A_250 = arith.index_cast %scan3A_228 : i32 to index
        %swap3A_251 = arith.constant 32 : index
        %swap3A_252 = tpu.vector_load %arg10[%swap3A_250, %swap3A_251] {strides = array<i32>} : memref<256x64xf32, #tpu.memory_space<vmem>>, vector<1x16xf32>,
        %swap3A_253 = vector.shape_cast %swap3A_252 : vector<1x16xf32> to vector<16xf32>
        %swap3A_254 = vector.shape_cast %get3A_249 : vector<16xf32> to vector<1x16xf32>
        tpu.vector_store %arg10[%swap3A_250, %swap3A_251], %swap3A_254 {add = true, strides = array<i32>} : memref<256x64xf32, #tpu.memory_space<vmem>>, vector<1x16xf32>,
        %get3A_255 = arith.index_cast %scan3A_229 : i32 to index
        %get3A_256 = arith.constant 48 : index
        %get3A_257 = tpu.vector_load %arg11[%get3A_255, %get3A_256] {strides = array<i32>} : memref<200x64xf32, #tpu.memory_space<vmem>>, vector<1x16xf32>,
        %get3A_258 = vector.shape_cast %get3A_257 : vector<1x16xf32> to vector<16xf32>
        %swap3A_259 = arith.index_cast %scan3A_228 : i32 to index
        %swap3A_260 = arith.constant 48 : index
        %swap3A_261 = tpu.vector_load %arg10[%swap3A_259, %swap3A_260] {strides = array<i32>} : memref<256x64xf32, #tpu.memory_space<vmem>>, vector<1x16xf32>,
        %swap3A_262 = vector.shape_cast %swap3A_261 : vector<1x16xf32> to vector<16xf32>
        %swap3A_263 = vector.shape_cast %get3A_258 : vector<16xf32> to vector<1x16xf32>
        tpu.vector_store %arg10[%swap3A_259, %swap3A_260], %swap3A_263 {add = true, strides = array<i32>} : memref<256x64xf32, #tpu.memory_space<vmem>>, vector<1x16xf32>,
        %eq3A_264 = arith.constant 199 : i32
        %eq3A_265 = arith.cmpi eq, %scan3A_229, %eq3A_264 : i32
        %add3A_266 = arith.constant 1 : i32
        %add3A_267 = arith.addi %scan3A_229, %add3A_266 : i32
        %select_n3A = arith.constant 0 : i32
        %select_n3A_268 = arith.select %eq3A_265, %select_n3A, %add3A_267 : i32
        %scan3A_269 = arith.constant 1 : i32
        %scan3A_270 = arith.addi %scan3A_228, %scan3A_269 : i32
        %get3A_271 = arith.index_cast %select_n3A_268 : i32 to index
        %get3A_272 = arith.constant 0 : index
        %get3A_273 = tpu.vector_load %arg11[%get3A_271, %get3A_272] {strides = array<i32>} : memref<200x64xf32, #tpu.memory_space<vmem>>, vector<1x16xf32>,
        %get3A_274 = vector.shape_cast %get3A_273 : vector<1x16xf32> to vector<16xf32>
        %swap3A_275 = arith.index_cast %scan3A_270 : i32 to index
        %swap3A_276 = arith.constant 0 : index
        %swap3A_277 = tpu.vector_load %arg10[%swap3A_275, %swap3A_276] {strides = array<i32>} : memref<256x64xf32, #tpu.memory_space<vmem>>, vector<1x16xf32>,
        %swap3A_278 = vector.shape_cast %swap3A_277 : vector<1x16xf32> to vector<16xf32>
        %swap3A_279 = vector.shape_cast %get3A_274 : vector<16xf32> to vector<1x16xf32>
        tpu.vector_store %arg10[%swap3A_275, %swap3A_276], %swap3A_279 {add = true, strides = array<i32>} : memref<256x64xf32, #tpu.memory_space<vmem>>, vector<1x16xf32>,
        %get3A_280 = arith.index_cast %select_n3A_268 : i32 to index
        %get3A_281 = arith.constant 16 : index
        %get3A_282 = tpu.vector_load %arg11[%get3A_280, %get3A_281] {strides = array<i32>} : memref<200x64xf32, #tpu.memory_space<vmem>>, vector<1x16xf32>,
        %get3A_283 = vector.shape_cast %get3A_282 : vector<1x16xf32> to vector<16xf32>
        %swap3A_284 = arith.index_cast %scan3A_270 : i32 to index
        %swap3A_285 = arith.constant 16 : index
        %swap3A_286 = tpu.vector_load %arg10[%swap3A_284, %swap3A_285] {strides = array<i32>} : memref<256x64xf32, #tpu.memory_space<vmem>>, vector<1x16xf32>,
        %swap3A_287 = vector.shape_cast %swap3A_286 : vector<1x16xf32> to vector<16xf32>
        %swap3A_288 = vector.shape_cast %get3A_283 : vector<16xf32> to vector<1x16xf32>
        tpu.vector_store %arg10[%swap3A_284, %swap3A_285], %swap3A_288 {add = true, strides = array<i32>} : memref<256x64xf32, #tpu.memory_space<vmem>>, vector<1x16xf32>,
        %get3A_289 = arith.index_cast %select_n3A_268 : i32 to index
        %get3A_290 = arith.constant 32 : index
        %get3A_291 = tpu.vector_load %arg11[%get3A_289, %get3A_290] {strides = array<i32>} : memref<200x64xf32, #tpu.memory_space<vmem>>, vector<1x16xf32>,
        %get3A_292 = vector.shape_cast %get3A_291 : vector<1x16xf32> to vector<16xf32>
        %swap3A_293 = arith.index_cast %scan3A_270 : i32 to index
        %swap3A_294 = arith.constant 32 : index
        %swap3A_295 = tpu.vector_load %arg10[%swap3A_293, %swap3A_294] {strides = array<i32>} : memref<256x64xf32, #tpu.memory_space<vmem>>, vector<1x16xf32>,
        %swap3A_296 = vector.shape_cast %swap3A_295 : vector<1x16xf32> to vector<16xf32>
        %swap3A_297 = vector.shape_cast %get3A_292 : vector<16xf32> to vector<1x16xf32>
        tpu.vector_store %arg10[%swap3A_293, %swap3A_294], %swap3A_297 {add = true, strides = array<i32>} : memref<256x64xf32, #tpu.memory_space<vmem>>, vector<1x16xf32>,
        %get3A_298 = arith.index_cast %select_n3A_268 : i32 to index
        %get3A_299 = arith.constant 48 : index
        %get3A_300 = tpu.vector_load %arg11[%get3A_298, %get3A_299] {strides = array<i32>} : memref<200x64xf32, #tpu.memory_space<vmem>>, vector<1x16xf32>,
        %get3A_301 = vector.shape_cast %get3A_300 : vector<1x16xf32> to vector<16xf32>
        %swap3A_302 = arith.index_cast %scan3A_270 : i32 to index
        %swap3A_303 = arith.constant 48 : index
        %swap3A_304 = tpu.vector_load %arg10[%swap3A_302, %swap3A_303] {strides = array<i32>} : memref<256x64xf32, #tpu.memory_space<vmem>>, vector<1x16xf32>,
        %swap3A_305 = vector.shape_cast %swap3A_304 : vector<1x16xf32> to vector<16xf32>
        %swap3A_306 = vector.shape_cast %get3A_301 : vector<16xf32> to vector<1x16xf32>
        tpu.vector_store %arg10[%swap3A_302, %swap3A_303], %swap3A_306 {add = true, strides = array<i32>} : memref<256x64xf32, #tpu.memory_space<vmem>>, vector<1x16xf32>,
        %eq3A_307 = arith.constant 199 : i32
        %eq3A_308 = arith.cmpi eq, %select_n3A_268, %eq3A_307 : i32
        %add3A_309 = arith.constant 1 : i32
        %add3A_310 = arith.addi %select_n3A_268, %add3A_309 : i32
        %select_n3A_311 = arith.constant 0 : i32
        %select_n3A_312 = arith.select %eq3A_308, %select_n3A_311, %add3A_310 : i32
        scf.yield %select_n3A_312 : i32
      }
      %scan3A_218 = arith.constant 256 : i32
      %mul3A_219 = arith.constant 256 : i32
      %mul3A_220 = arith.muli %add3A_185, %mul3A_219 : i32
      %add3A_221 = arith.addi %mul3A_2, %mul3A_220 : i32
      %multiple_of3A_222 = tpu.assume_multiple %add3A_221, 8 : i32
      %dma_start3A_223 = arith.constant 0 : i32
      %dma_start3A_224 = tpu.memref_slice %arg5[%multiple_of3A_222, %dma_start3A_223] : memref<819200x64xf32, #tpu.memory_space<hbm>> -> memref<256x64xf32, #tpu.memory_space<hbm>>
      %dma_start3A_225 = arith.constant 0 : i32
      %dma_start3A_226 = tpu.memref_slice %arg5[%multiple_of3A_222, %dma_start3A_225] : memref<819200x64xf32, #tpu.memory_space<hbm>> -> memref<256x64xf32, #tpu.memory_space<hbm>>
      tpu.enqueue_dma source(%arg10 : memref<256x64xf32, #tpu.memory_space<vmem>>) target(%dma_start3A_226 : memref<256x64xf32, #tpu.memory_space<hbm>>) target_semaphore(%arg20 : memref<!tpu.dma_semaphore, #tpu.memory_space<semaphore_mem>>)
      %scan3A_227 = arith.constant 0 : i32
      scf.yield %scan3A_227 : i32
    }
    %scan3A_21 = arith.constant 25 : i32
    %add3A_22 = arith.constant 24576 : i32
    %add3A_23 = arith.addi %mul3A_2, %add3A_22 : i32
    %multiple_of3A_24 = tpu.assume_multiple %add3A_23, 8 : i32
    %dma_wait3A = arith.constant 0 : i32
    %dma_wait3A_25 = tpu.memref_slice %arg5[%multiple_of3A_24, %dma_wait3A] : memref<819200x64xf32, #tpu.memory_space<hbm>> -> memref<256x64xf32, #tpu.memory_space<hbm>>
    %dma_wait3A_26 = arith.constant 0 : i32
    %dma_wait3A_27 = tpu.memref_slice %arg5[%multiple_of3A_24, %dma_wait3A_26] : memref<819200x64xf32, #tpu.memory_space<hbm>> -> memref<256x64xf32, #tpu.memory_space<hbm>>
    tpu.wait_dma2 semaphore(%arg17 : memref<!tpu.dma_semaphore, #tpu.memory_space<semaphore_mem>>) src(%arg7 : memref<256x64xf32, #tpu.memory_space<vmem>>) dst(%dma_wait3A_27 : memref<256x64xf32, #tpu.memory_space<hbm>>)
    %add3A_28 = arith.constant 24832 : i32
    %add3A_29 = arith.addi %mul3A_2, %add3A_28 : i32
    %multiple_of3A_30 = tpu.assume_multiple %add3A_29, 8 : i32
    %dma_wait3A_31 = arith.constant 0 : i32
    %dma_wait3A_32 = tpu.memref_slice %arg5[%multiple_of3A_30, %dma_wait3A_31] : memref<819200x64xf32, #tpu.memory_space<hbm>> -> memref<256x64xf32, #tpu.memory_space<hbm>>
    %dma_wait3A_33 = arith.constant 0 : i32
    %dma_wait3A_34 = tpu.memref_slice %arg5[%multiple_of3A_30, %dma_wait3A_33] : memref<819200x64xf32, #tpu.memory_space<hbm>> -> memref<256x64xf32, #tpu.memory_space<hbm>>
    tpu.wait_dma2 semaphore(%arg18 : memref<!tpu.dma_semaphore, #tpu.memory_space<semaphore_mem>>) src(%arg8 : memref<256x64xf32, #tpu.memory_space<vmem>>) dst(%dma_wait3A_34 : memref<256x64xf32, #tpu.memory_space<hbm>>)
    %add3A_35 = arith.constant 25088 : i32
    %add3A_36 = arith.addi %mul3A_2, %add3A_35 : i32
    %multiple_of3A_37 = tpu.assume_multiple %add3A_36, 8 : i32
    %dma_wait3A_38 = arith.constant 0 : i32
    %dma_wait3A_39 = tpu.memref_slice %arg5[%multiple_of3A_37, %dma_wait3A_38] : memref<819200x64xf32, #tpu.memory_space<hbm>> -> memref<256x64xf32, #tpu.memory_space<hbm>>
    %dma_wait3A_40 = arith.constant 0 : i32
    %dma_wait3A_41 = tpu.memref_slice %arg5[%multiple_of3A_37, %dma_wait3A_40] : memref<819200x64xf32, #tpu.memory_space<hbm>> -> memref<256x64xf32, #tpu.memory_space<hbm>>
    tpu.wait_dma2 semaphore(%arg19 : memref<!tpu.dma_semaphore, #tpu.memory_space<semaphore_mem>>) src(%arg9 : memref<256x64xf32, #tpu.memory_space<vmem>>) dst(%dma_wait3A_41 : memref<256x64xf32, #tpu.memory_space<hbm>>)
    %add3A_42 = arith.constant 25344 : i32
    %add3A_43 = arith.addi %mul3A_2, %add3A_42 : i32
    %multiple_of3A_44 = tpu.assume_multiple %add3A_43, 8 : i32
    %dma_wait3A_45 = arith.constant 0 : i32
    %dma_wait3A_46 = tpu.memref_slice %arg5[%multiple_of3A_44, %dma_wait3A_45] : memref<819200x64xf32, #tpu.memory_space<hbm>> -> memref<256x64xf32, #tpu.memory_space<hbm>>
    %dma_wait3A_47 = arith.constant 0 : i32
    %dma_wait3A_48 = tpu.memref_slice %arg5[%multiple_of3A_44, %dma_wait3A_47] : memref<819200x64xf32, #tpu.memory_space<hbm>> -> memref<256x64xf32, #tpu.memory_space<hbm>>
    tpu.wait_dma2 semaphore(%arg20 : memref<!tpu.dma_semaphore, #tpu.memory_space<semaphore_mem>>) src(%arg10 : memref<256x64xf32, #tpu.memory_space<vmem>>) dst(%dma_wait3A_48 : memref<256x64xf32, #tpu.memory_space<hbm>>)
    return
  }
}

</mosaic_0001>

<sc_bundles>
// kernel: kernel.3.cloned.1.call-start
scs
__scs_entry_jumppad:
0x0: {  	(pc) =	sbr.rel $0x88, $3  }
0x1: {  	(tag) =	ssettag $0x0;
	lr =	simm.s32 $0x1  }
0x2: {  	[smem:$0x3F9B] =	sst lr;
	_ =	strace $0xD0000000  }
0x3: {  	_ = 	snop  }
0x4: {  	_ = 	snop  }
0x5: {  	_ = 	snop  }
0x6: {  	_ = 	snop  }
0x7: {  	_ = 	snop  }
__scs_overlays_trampoline_lowered:
0x8: {  	[smem:$0x3FAA] =	sst s0  }
0x9: {  	[smem:$0x3FAB] =	sst s1  }
0xa: {  	[smem:$0x3FAC] =	sst s2  }
0xb: {  	[smem:$0x3FAD] =	sst s3  }
0xc: {  	[smem:$0x3FAE] =	sst s4  }
0xd: {  	[smem:$0x3FAF] =	sst s5  }
0xe: {  	[smem:$0x3FB0] =	sst s6  }
0xf: {  	[smem:$0x3FB1] =	sst s7  }
0x10: {  	[smem:$0x3FB2] =	sst s8  }
0x11: {  	[smem:$0x3FB3] =	sst s9;
	s0 =	simm.s32 @!p0 $0x0  }
0x12: {  	s1 =	sld [smem:$0x3F99];
	s0 =	simm.s32 @p0 $0x1  }
0x13: {  	[smem:$0x3FB4] =	sst s0;
	s0 =	simm.s32 @!p1 $0x0  }
0x14: {  	s2 =	sld [smem:$0x3F98];
	s0 =	simm.s32 @p1 $0x1  }
0x15: {  	[smem:$0x3FB5] =	sst s0;
	s0 =	simm.s32 @!p2 $0x0  }
0x16: {  	s3 =	sld [smem:$0x3FDB];
	s0 =	simm.s32 @p2 $0x1  }
0x17: {  	s4 =	simm.s32 $0x1BF5;
	[smem:$0x3FB7] =	sst s0  }
0x18: {  	s0 =	sld [smem:$0x3F9A];
	_ =	swait.ge [sflag:s4], $0x0  }
0x19: {  	s7 =	sld [smem:$0x3F9B]  }
0x1a: {  	s8 =	sadd.s32 $0xFFFFE003, lr  }
0x1b: {  	s9 =	sadd.s32 $0xFFFFFEF7, lr;
	s5 =	simm.s32 $0xFFFFFFFF;
	p2 =	slt.u32 s8, $0xFFFFF086  }
0x1c: {  	p1 =	slt.u32 s9, $0xF7A;
	s5 =	simm.s32 @!p2 $0x0  }
0x1d: {  	s5 =	simm.s32 @p1 $0x1;
	p0 =	seq.s32 s7, s2  }
0x1e: {  	s7 =	smul.u32 @!p0 $0xF7A, s2;
	p2 =	seq.s32 @!p0 s5, $0x0  }
0x1f: {  	s9 =	smul.u32 $0xF7A, s1;
	s8 =	simm.s32 @!p0 $0x1BF5;
	p2 =	por !p2, p0  }
0x20: {  	[sflag:s8] =	ssyncset.s32 @!p0 $0xFFFFF086;
	s6 =	sadd.s32 @!p0 s3, s7;
	s7 =	simm.s32 @!p0 $0x108  }
0x21: {  	s3 =	sadd.s32 s3, s9;
	s6 =	sadd.s32 @!p0 $0x88, s6;
	s7 =	simm.s32 @p2 $0x1082  }
0x22: {  	[simem:s7], [sflag:s8] =	dma.local @!p0 [hbm:s6], $0xF7A  }
0x23: {  	s9 =	sor.u32 $0xD0000000, s2;
	s6 =	simm.s32 $0x108;
	_ =	swait.ge @!p0 [sflag:s8], $0x0  }
0x24: {  	s3 =	sadd.s32 $0x88, s3;
	s6 =	simm.s32 @!p1 $0x1082;
	[sflag:s4] =	ssyncset.s32 $0xFFFFF086  }
0x25: {  	[simem:s6], [sflag:s4] =	dma.local [hbm:s3], $0xF7A  }
0x26: {  	[smem:$0x3F9B] =	sst s1;
	(tag) =	ssettag s2;
	_ =	strace s9  }
0x27: {  	s1 =	sld [smem:$0x3FAB]  }
0x28: {  	s2 =	sld [smem:$0x3FAC]  }
0x29: {  	s4 =	sld [smem:$0x3FAE]  }
0x2a: {  	p0 =	seq.s32 s5, $0x0;
	s5 =	sld [smem:$0x3FAF]  }
0x2b: {  	s6 =	sld [smem:$0x3FB0]  }
0x2c: {  	s7 =	sld [smem:$0x3FB1]  }
0x2d: {  	s3 =	simm.s32 $0x108;
	s8 =	sld [smem:$0x3FB2]  }
0x2e: {  	s3 =	simm.s32 @!p0 $0x1082;
	s9 =	sld [smem:$0x3FB3]  }
0x2f: {  	lr =	sadd.s32 s0, s3;
	s0 =	sld [smem:$0x3FAA]  }
0x30: {  	s3 =	sld [smem:$0x3FAD]  }
0x31: {  	[smem:$0x3FB6] =	sst s10  }
0x32: {  	s10 =	sld [smem:$0x3FB4];
	_ =	sdelay $0x3  }
0x33: {  	p0 =	seq.s32 s10, $0x1;
	s10 =	sld [smem:$0x3FB6];
	_ =	sdelay $0x3  }
0x34: {  	[smem:$0x3FB6] =	sst s10  }
0x35: {  	s10 =	sld [smem:$0x3FB5];
	_ =	sdelay $0x3  }
0x36: {  	p1 =	seq.s32 s10, $0x1;
	s10 =	sld [smem:$0x3FB6];
	_ =	sdelay $0x3  }
0x37: {  	[smem:$0x3FB6] =	sst s10  }
0x38: {  	s10 =	sld [smem:$0x3FB7]  }
0x39: {  	_ = 	snop;
	(pc) =	sbr.ind lr, $3  }
0x3a: {  	_ = 	snop  }
0x3b: {  	_ = 	snop  }
0x3c: {  	p2 =	seq.s32 s10, $0x1;
	s10 =	sld [smem:$0x3FB6]  }
0x3d: {  	_ =	shalt  }
0x3e: {  	_ =	shalt  }
0x3f: {  	_ =	shalt  }
0x40: {  	_ =	shalt  }
0x41: {  	_ =	shalt  }
0x42: {  	_ =	shalt  }
0x43: {  	_ =	shalt  }
0x44: {  	_ =	shalt  }
0x45: {  	_ =	shalt  }
0x46: {  	_ =	shalt  }
0x47: {  	_ =	shalt  }
0x48: {  	_ =	shalt  }
0x49: {  	_ =	shalt  }
0x4a: {  	_ =	shalt  }
0x4b: {  	_ =	shalt  }
0x4c: {  	_ =	shalt  }
0x4d: {  	_ =	shalt  }
0x4e: {  	_ =	shalt  }
0x4f: {  	_ =	shalt  }
0x50: {  	_ =	shalt  }
0x51: {  	_ =	shalt  }
0x52: {  	_ =	shalt  }
0x53: {  	_ =	shalt  }
0x54: {  	_ =	shalt  }
0x55: {  	_ =	shalt  }
0x56: {  	_ =	shalt  }
0x57: {  	_ =	shalt  }
0x58: {  	_ =	shalt  }
0x59: {  	_ =	shalt  }
0x5a: {  	_ =	shalt  }
0x5b: {  	_ =	shalt  }
0x5c: {  	_ =	shalt  }
0x5d: {  	_ =	shalt  }
0x5e: {  	_ =	shalt  }
0x5f: {  	_ =	shalt  }
0x60: {  	_ =	shalt  }
0x61: {  	_ =	shalt  }
0x62: {  	_ =	shalt  }
0x63: {  	_ =	shalt  }
0x64: {  	_ =	shalt  }
0x65: {  	_ =	shalt  }
0x66: {  	_ =	shalt  }
0x67: {  	_ =	shalt  }
0x68: {  	_ =	shalt  }
0x69: {  	_ =	shalt  }
0x6a: {  	_ =	shalt  }
0x6b: {  	_ =	shalt  }
0x6c: {  	_ =	shalt  }
0x6d: {  	_ =	shalt  }
0x6e: {  	_ =	shalt  }
0x6f: {  	_ =	shalt  }
0x70: {  	_ =	shalt  }
0x71: {  	_ =	shalt  }
0x72: {  	_ =	shalt  }
0x73: {  	_ =	shalt  }
0x74: {  	_ =	shalt  }
0x75: {  	_ =	shalt  }
0x76: {  	_ =	shalt  }
0x77: {  	_ =	shalt  }
0x78: {  	_ =	shalt  }
0x79: {  	_ =	shalt  }
0x7a: {  	_ =	shalt  }
0x7b: {  	_ =	shalt  }
0x7c: {  	_ =	shalt  }
0x7d: {  	_ =	shalt  }
0x7e: {  	_ =	shalt  }
0x7f: {  	_ =	shalt  }
0x80: {  	_ =	shalt  }
0x81: {  	_ =	shalt  }
0x82: {  	_ =	shalt  }
0x83: {  	_ =	shalt  }
0x84: {  	_ =	shalt  }
0x85: {  	_ =	shalt  }
0x86: {  	_ =	shalt  }
0x87: {  	_ =	shalt  }
.Lfunc_end0:
.L_simem_size_0:
called_computation.1_lowered:
.L_overlay_start_0:
0x88: {  	s2 =	sld [smem:$0x3FD9]  }
0x89: {  	s3 =	sld [smem:$0x3FFE];
	_ =	sdelay $0x1  }
0x8a: {  	s1 =	srdreg.scid  }
0x8b: {  	s0 =	sand.u32 $0x1, s1  }
0x8c: {  	s17 =	sshll.u32 s0, $0xA;
	s2 =	sadd.s32 s3, s2  }
0x8d: {  	s2 =	sadd.s32 s2, s17  }
0x8e: {  	[smem:$0x3FC2] =	sst s2  }
0x8f: {  	_ = 	snop  }
0x90: {  	s2 =	sld [smem:$0x3FD0];
	(tm) =	ssettm $0x1  }
0x91: {  	s18 =	sld [smem:$0x3FFB];
	_ =	sdelay $0x3  }
0x92: {  	_ =	strace s18  }
0x93: {  	s3 =	sld [smem:$0x3FFC];
	_ =	sdelay $0x3  }
0x94: {  	_ =	strace s3  }
0x95: {  	s3 =	sld [smem:$0x3FFD];
	_ =	sdelay $0x3  }
0x96: {  	_ =	strace s3  }
0x97: {  	_ =	strace $0x8FFFFFFF  }
0x98: {  	s19 =	sld [smem:$0x3FDB];
	_ =	sdelay $0x1  }
0x99: {  	s4 =	simm.s32 $_scs_section_size  }
0x9a: {  	s5 =	simm.s32 $_size__tile_overlayer_lowered;
	s6 =	simm.s32 $_tile_overlayer_lowered  }
0x9b: {  	s22 =	simm.s32 $0x1BFF;
	s21 =	sshll.u32 s6, $0x1;
	s3 =	sadd.s32 s4, s19  }
0x9c: {  	s7 =	simm.s32 $0x0;
	s20 =	sshll.u32 s5, $0x1;
	s5 =	sadd.s32 s21, s3  }
0x9d: {  	[timem:s7], [sflag:s22] =	dma.local [hbm:s5], s20  }
0x9e: {  	_ =	swait.ge [sflag:s22], s20  }
0x9f: {  	s4 =	ssub.s32 $0x0, s20;
	[sflag:s22] =	ssyncset.done $0x0  }
0xa0: {  	[sflag:s22] =	ssyncadd.s32 s4;
	_ =	sdelay $0x1  }
0xa1: {  	s23 =	simm.s32 $0x1B8B  }
0xa2: {  	_ =	swait.ge [sflag:s23], $0x1  }
0xa3: {  	[sflag:s23] =	ssyncset.done $0x0  }
0xa4: {  	s25 =	simm.s32 $0x1B8E;
	s24 =	sld [smem:$0x3FFE];
	[sflag:s23] =	ssyncadd.s32 $0xFFFFFFFF  }
0xa5: {  	s26 =	simm.s32 $execute0_lowered;
	[smem:$0x3FD2] =	sst s25  }
0xa6: {  	s5 =	sshll.u32 s26, $0x1;
	_ =	strace $0x80000046;
	[dreg:$0x1] =	wrdreg $0xFFFFFFFF  }
0xa7: {  	s28 =	simm.s32 $_size_execute0_lowered;
	s3 =	sadd.s32 s3, s5;
	[dreg:$0x0] =	wrdreg $0x0  }
0xa8: {  	s5 =	sshll.u32 s28, $0x1;
	[dreg:$0x2] =	wrdreg s3  }
0xa9: {  	[dreg:$0x3] =	wrdreg s5  }
0xaa: {  	[dreg:$0x4] =	wrdreg $0xC0  }
0xab: {  	_ =	task [dreg:s7], $0x5FFFF  }
0xac: {  	[dreg:$0x1] =	wrdreg $0xFFFFFFFF  }
0xad: {  	[dreg:$0x0] =	wrdreg $0x60  }
0xae: {  	[dreg:$0x2] =	wrdreg s24  }
0xaf: {  	[dreg:$0x3] =	wrdreg s2  }
0xb0: {  	[dreg:$0x4] =	wrdreg $0x196000  }
0xb1: {  	[dreg:$0x5] =	wrdreg $0x9  }
0xb2: {  	_ =	task.clear_ibuf [dreg:s7], $0x6FFFF;
	_ =	strace $0x90000046  }
0xb3: {  	s29 =	simm.s32 $0x9;
	_ =	strace $0x80000048  }
0xb4: {  	_ =	swait.ge [sflag:s29], $0x1  }
0xb5: {  	[sflag:s29] =	ssyncadd.s32 $0xFFFFFFFF  }
0xb6: {  	_ =	strace $0x90000048  }
0xb7: {  	_ =	sfence  }
0xb8: {  	s30 =	sld [smem:$0x0];
	_ =	sdelay $0x2  }
0xb9: {  	s31 =	sshll.u32 s1, $0xD;
	s1 =	sshrl.u32 s1, $0x2  }
0xba: {  	s3 =	sand.u32 $0x4000, s31;
	s1 =	sadd.s32 s1, s30  }
0xbb: {  	s0 =	sor.u32 s3, s0;
	s1 =	sshll.u32 s1, $0x11  }
0xbc: {  	s0 =	sor.u32 s1, s0  }
0xbd: {  	s0 =	sadd.s32 $0x8F2B, s0  }
0xbe: {  	[sflag:s0] =	ssyncadd.remote.s32 $0x1  }
0xbf: {  	_ =	sfence.sel $0xFFFF  }
0xc0: {  	[dreg:$0x0] =	wrdreg $0xFFFFFFFF;
	(pc) =	sbr.abs _section_cstart, $3  }
0xc1: {  	[dreg:$0x1] =	wrdreg $0xFFFFFFFF  }
0xc2: {  	_ =	task.clear_ibuf [dreg:s7], $0x2FFFF;
	_ =	strace $0x9FFFFFFF  }
0xc3: {  	(tm) =	ssettm $0x7FFFFFFF  }
tec
execute0_lowered:
.L_overlay_start_1:
0x0: {  	(tag) =	ssettag $0x1  }
0x1: {  	s0 =	srdreg.scid;
	s6 =	rddreg [dreg:$0x0]  }
0x2: {  	s5 =	stileid.u32;
	s1 =	rddreg [dreg:$0x1]  }
0x3: {  	s4 =	simm.s32 $0x0;
	s10 =	simm.s32 $0x9;
	s12 =	simm.s32 $0x100  }
0x4: {  	s13 =	simm.s32 $0x6400;
	s14 =	simm.s32 $0xA400;
	s15 =	simm.s32 $0xE400  }
0x5: {  	s16 =	simm.s32 $0x1;
	s17 =	simm.s32 $0x12400;
	s18 =	simm.s32 $0x2  }
0x6: {  	s19 =	simm.s32 $0x3;
	s20 =	simm.s32 $0x4;
	s21 =	simm.s32 $0x5  }
0x7: {  	s22 =	simm.s32 $0x6;
	s23 =	simm.s32 $0x7;
	s24 =	simm.s32 $0x8  }
0x8: {  	s25 =	simm.s32 $0x0;
	s0 =	sand.u32 $0x1, s0;
	s2 =	sshll.u32 s5, $0x1  }
0x9: {  	[smem:$0x7FF] =	sst s4;
	s8 =	sadd.s32 $0x800, s6;
	s3 =	sor.u32 s0, s2  }
0xa: {  	p0 =	sne.s32 s5, $0x0;
	s2 =	rddreg [dreg:$0x2];
	s3 =	smul.u32 $0x6400, s3  }
0xb: {  	_ =	strace $0x80000047;
	s0 =	ssub.s32 $0x2, s0;
	[dreg:$0x4] =	wrdreg s8  }
0xc: {  	s31 =	sshrl.u32 s0, $0x1;
	s9 =	sshrl.u32 @!p0 s2, $0x3;
	s7 =	sshrl.u32 s3, $0x3  }
0xd: {  	s0 =	ssub.s32 s0, s31;
	s7 =	sadd.s32 s7, s6;
	s6 =	sadd.s32 $0x2800, s6  }
0xe: {  	s8 =	smax.u32 s0, $0x1;
	[dreg:$0x5] =	wrdreg s6;
	s7 =	sadd.s32 $0x6800, s7  }
.LBB2_1:
0xf: {  	s0 =	simm.s32 @!p0 $0x1C09;
	s5 =	rddreg [dreg:$0x4]  }
0x10: {  	[spmem:s9], [sflag:s0] =	dma.local @!p0 [hbm:s5], $0x1F40  }
0x11: {  	s0 =	simm.s32 @!p0 $0x9  }
0x12: {  	_ =	swait.ge @!p0 [sflag:s0], $0x1F40  }
0x13: {  	[sflag:s0] =	ssyncset.done @!p0 $0x0  }
0x14: {  	[sflag:s0] =	ssyncadd.s32 @!p0 $0xFFFFE0C0  }
0x15: {  	[tilespmem:s4], [sflag:$0x9] =	stream.linear.gather [hbm4b:s7+s4], $0x6400, $0x38;
	[tilespmem:$0x1A5A0] =	vst v63  }
0x16: {  	_ =	swait.ge [sflag:s10], $0x6400  }
0x17: {  	[sflag:s10] =	ssyncset.done $0x0  }
0x18: {  	s31 =	simm.s32 $0x16400;
	s30 =	rddreg [dreg:$0x5];
	[sflag:s10] =	ssyncadd.s32 $0xFFFF9C00  }
0x19: {  	[tilespmem:s31], [sflag:$0x9] =	stream.linear.gather [hbm4b:s30+s4], $0x3200, $0x38;
	[tilespmem:$0x1A5A0] =	vst v63  }
0x1a: {  	_ =	swait.ge [sflag:s10], $0x3200  }
0x1b: {  	[sflag:s10] =	ssyncset.done $0x0  }
0x1c: {  	[sflag:s10] =	ssyncadd.s32 $0xFFFFCE00  }
0x1d: {  	[bflag:$0x0] =	sbarrier.arrive $0xFFFF  }
0x1e: {  	[tilespmem:s13], [sflag:$0x1] =	stream.indirect.gather [spmem:s2], $0x40, s4, s12, $0xb8;
	[tilespmem:$0x1A5A0] =	vst v63  }
0x1f: {  	s26 =	simm.s32 $0x0  }
0x20: {  	[tilespmem:s14], [sflag:$0x2] =	stream.indirect.gather [spmem:s2], $0x40, s12, s12, $0xb8;
	[tilespmem:$0x1A5A0] =	vst v63  }
.LBB2_2:
0x21: {  	s29 =	sshll.u32 s26, $0x2;
	s6 =	sshll.u32 s26, $0x7  }
0x22: {  	p1 =	seq.s32 s26, $0x0;
	s5 =	sor.u32 $0x2, s29;
	s6 =	sand.u32 $0x1F80, s6  }
0x23: {  	s0 =	simm.s32 @!p1 $0x7;
	s28 =	sshll.u32 s5, $0x8;
	s5 =	smul.u32 $0x147B, s6  }
0x24: {  	_ =	swait.ge @!p1 [sflag:s0], $0x4000  }
0x25: {  	s30 =	sshll.u32 s26, $0xA;
	[sflag:s0] =	ssyncset.done @!p1 $0x0;
	s5 =	sshrl.u32 s5, $0x11  }
0x26: {  	s11 =	sand.u32 $0x3FFFFF00, s28;
	[sflag:s0] =	ssyncadd.s32 @!p1 $0xFFFFC000;
	s0 =	smul.u32 $0xC8, s5  }
0x27: {  	[tilespmem:s15], [sflag:$0x3] =	stream.indirect.gather [spmem:s2], $0x40, s11, s12, $0xb8;
	[tilespmem:$0x1A5A0] =	vst v63  }
0x28: {  	s0 =	ssub.s32 s30, s0  }
0x29: {  	_ =	swait.ge [sflag:s16], $0x4000;
	s0 =	sand.u32 $0xFFF8, s0  }
0x2a: {  	[sflag:s16] =	ssyncset.done $0x0;
	s6 =	sshll.u32 s0, $0x8  }
0x2b: {  	[sflag:s16] =	ssyncadd.s32 $0xFFFFC000;
	s5 =	sshra.s32 s6, $0x2  }
0x2c: {  	v0 =	vld [tilespmem:s5+$0x16400];
	_ =	sdelay $0x3  }
0x2d: {  	s31 =	simm.s32 $0x6400  }
0x2e: {  	[tilespmem:s31+$0x0] =	vst.add.f32.msk $0xffff, v0  }
0x2f: {  	v0 =	vld [tilespmem:s5+$0x16410];
	_ =	sdelay $0x4  }
0x30: {  	[tilespmem:s31+$0x10] =	vst.add.f32.msk $0xffff, v0  }
0x31: {  	v0 =	vld [tilespmem:s5+$0x16420];
	_ =	sdelay $0x4  }
0x32: {  	[tilespmem:s31+$0x20] =	vst.add.f32.msk $0xffff, v0  }
0x33: {  	v0 =	vld [tilespmem:s5+$0x16430];
	_ =	sdelay $0x1  }
0x34: {  	p2 =	seq.s32 s0, $0xC7;
	s5 =	sadd.s32 $0x1, s0  }
0x35: {  	s5 =	simm.s32 @p2 $0x0  }
0x36: {  	s11 =	sshll.u32 s5, $0x8  }
0x37: {  	s6 =	sshra.s32 s11, $0x2;
	[tilespmem:s31+$0x30] =	vst.add.f32.msk $0xffff, v0  }
0x38: {  	v0 =	vld [tilespmem:s6+$0x16400];
	_ =	sdelay $0x4  }
0x39: {  	[tilespmem:s31+$0x40] =	vst.add.f32.msk $0xffff, v0  }
0x3a: {  	v0 =	vld [tilespmem:s6+$0x16410];
	_ =	sdelay $0x4  }
0x3b: {  	[tilespmem:s31+$0x50] =	vst.add.f32.msk $0xffff, v0  }
0x3c: {  	v0 =	vld [tilespmem:s6+$0x16420];
	_ =	sdelay $0x4  }
0x3d: {  	[tilespmem:s31+$0x60] =	vst.add.f32.msk $0xffff, v0  }
0x3e: {  	v0 =	vld [tilespmem:s6+$0x16430];
	_ =	sdelay $0x1  }
0x3f: {  	p2 =	seq.s32 s5, $0xC7;
	s0 =	sadd.s32 $0x1, s5  }
0x40: {  	s0 =	simm.s32 @p2 $0x0  }
0x41: {  	s5 =	simm.s32 $0x2;
	s11 =	sadd.s32 $0x1, s0;
	s6 =	sshll.u32 s0, $0x8  }
.LBB2_3:
0x42: {  	s5 =	sadd.s32 $0x2, s5;
	s6 =	sshra.s32 s6, $0x2;
	[tilespmem:s31+$0x70] =	vst.add.f32.msk $0xffff, v0;
	s31 =	sadd.s32 $0x80, s31  }
0x43: {  	p2 =	slt.u32 s5, $0xFE;
	v0 =	vld [tilespmem:s6+$0x16400];
	_ =	sdelay $0x4  }
0x44: {  	[tilespmem:s31+$0x0] =	vst.add.f32.msk $0xffff, v0  }
0x45: {  	v0 =	vld [tilespmem:s6+$0x16410];
	_ =	sdelay $0x4  }
0x46: {  	[tilespmem:s31+$0x10] =	vst.add.f32.msk $0xffff, v0  }
0x47: {  	v0 =	vld [tilespmem:s6+$0x16420];
	_ =	sdelay $0x4  }
0x48: {  	[tilespmem:s31+$0x20] =	vst.add.f32.msk $0xffff, v0  }
0x49: {  	v0 =	vld [tilespmem:s6+$0x16430];
	_ =	sdelay $0x1  }
0x4a: {  	p3 =	seq.s32 s0, $0xC7  }
0x4b: {  	s11 =	simm.s32 @p3 $0x0  }
0x4c: {  	p3 =	seq.s32 s11, $0xC7;
	s0 =	sadd.s32 $0x1, s11;
	s6 =	sshll.u32 s11, $0x8  }
0x4d: {  	s0 =	simm.s32 @p3 $0x0;
	s6 =	sshra.s32 s6, $0x2;
	[tilespmem:s31+$0x30] =	vst.add.f32.msk $0xffff, v0  }
0x4e: {  	s11 =	sadd.s32 $0x1, s0;
	v0 =	vld [tilespmem:s6+$0x16400];
	_ =	sdelay $0x4  }
0x4f: {  	[tilespmem:s31+$0x40] =	vst.add.f32.msk $0xffff, v0  }
0x50: {  	v0 =	vld [tilespmem:s6+$0x16410];
	_ =	sdelay $0x4  }
0x51: {  	[tilespmem:s31+$0x50] =	vst.add.f32.msk $0xffff, v0  }
0x52: {  	v0 =	vld [tilespmem:s6+$0x16420];
	_ =	sdelay $0x4  }
0x53: {  	[tilespmem:s31+$0x60] =	vst.add.f32.msk $0xffff, v0  }
.Ltmp0:
0x54: {  	v0 =	vld [tilespmem:s6+$0x16430];
	(pc) =	sbr.rel @p2 .LBB2_3-.Ltmp0, $2  }
0x55: {  	_ =	sdelay $0x2  }
0x56: {  	s6 =	sshll.u32 s0, $0x8  }
0x57: {  	s5 =	sshra.s32 s6, $0x2;
	[tilespmem:s31+$0x70] =	vst.add.f32.msk $0xffff, v0  }
0x58: {  	v0 =	vld [tilespmem:s5+$0x16400];
	_ =	sdelay $0x3  }
0x59: {  	s6 =	sadd.s32 $0x80, s31  }
0x5a: {  	[tilespmem:s6+$0x0] =	vst.add.f32.msk $0xffff, v0  }
0x5b: {  	v0 =	vld [tilespmem:s5+$0x16410];
	_ =	sdelay $0x4  }
0x5c: {  	[tilespmem:s6+$0x10] =	vst.add.f32.msk $0xffff, v0  }
0x5d: {  	v0 =	vld [tilespmem:s5+$0x16420];
	_ =	sdelay $0x4  }
0x5e: {  	[tilespmem:s6+$0x20] =	vst.add.f32.msk $0xffff, v0  }
0x5f: {  	v0 =	vld [tilespmem:s5+$0x16430];
	_ =	sdelay $0x1  }
0x60: {  	p2 =	seq.s32 s0, $0xC7  }
0x61: {  	s11 =	simm.s32 @p2 $0x0  }
0x62: {  	s11 =	sshll.u32 s11, $0x8  }
0x63: {  	s0 =	sshra.s32 s11, $0x2;
	[tilespmem:s6+$0x30] =	vst.add.f32.msk $0xffff, v0  }
0x64: {  	v0 =	vld [tilespmem:s0+$0x16400];
	_ =	sdelay $0x4  }
0x65: {  	[tilespmem:s6+$0x40] =	vst.add.f32.msk $0xffff, v0  }
0x66: {  	v0 =	vld [tilespmem:s0+$0x16410];
	_ =	sdelay $0x4  }
0x67: {  	[tilespmem:s6+$0x50] =	vst.add.f32.msk $0xffff, v0  }
0x68: {  	v0 =	vld [tilespmem:s0+$0x16420];
	_ =	sdelay $0x4  }
0x69: {  	[tilespmem:s6+$0x60] =	vst.add.f32.msk $0xffff, v0  }
0x6a: {  	v0 =	vld [tilespmem:s0+$0x16430];
	_ =	sdelay $0x2  }
0x6b: {  	s5 =	sadd.s32 s3, s30  }
0x6c: {  	s0 =	sshll.u32 s5, $0x3  }
0x6d: {  	s30 =	sor.u32 $0x100, s30;
	s0 =	sadd.s32 s1, s0;
	[tilespmem:s6+$0x70] =	vst.add.f32.msk $0xffff, v0  }
0x6e: {  	[hbm4b:s0+s4] =	stream.linear.scatter [tilespmem:s13], [sflag:$0x5], $0x4000, $0x38;
	[tilespmem:$0x1A5A0] =	vst v63  }
0x6f: {  	s5 =	smulhi.u32 $0x51EB851F, s30;
	s0 =	simm.s32 @!p1 $0x8  }
0x70: {  	s11 =	sor.u32 $0x3, s29;
	_ =	swait.ge @!p1 [sflag:s0], $0x4000  }
0x71: {  	s29 =	sshll.u32 s11, $0x8;
	s5 =	sshrl.u32 s5, $0x6;
	[sflag:s0] =	ssyncset.done @!p1 $0x0  }
0x72: {  	s11 =	sand.u32 $0x3FFFFF00, s29;
	s5 =	smul.u32 $0xC8, s5;
	[sflag:s0] =	ssyncadd.s32 @!p1 $0xFFFFC000  }
0x73: {  	[tilespmem:s17], [sflag:$0x4] =	stream.indirect.gather [spmem:s2], $0x40, s11, s12, $0xb8;
	[tilespmem:$0x1A5A0] =	vst v63  }
0x74: {  	s6 =	ssub.s32 s30, s5;
	_ =	swait.ge [sflag:s18], $0x4000  }
0x75: {  	s5 =	sshll.u32 s6, $0x8;
	[sflag:s18] =	ssyncset.done $0x0  }
0x76: {  	s5 =	sshra.s32 s5, $0x2;
	[sflag:s18] =	ssyncadd.s32 $0xFFFFC000  }
0x77: {  	v0 =	vld [tilespmem:s5+$0x16400];
	_ =	sdelay $0x3  }
0x78: {  	s31 =	simm.s32 $0xA400  }
0x79: {  	[tilespmem:s31+$0x0] =	vst.add.f32.msk $0xffff, v0  }
0x7a: {  	v0 =	vld [tilespmem:s5+$0x16410];
	_ =	sdelay $0x4  }
0x7b: {  	[tilespmem:s31+$0x10] =	vst.add.f32.msk $0xffff, v0  }
0x7c: {  	v0 =	vld [tilespmem:s5+$0x16420];
	_ =	sdelay $0x4  }
0x7d: {  	[tilespmem:s31+$0x20] =	vst.add.f32.msk $0xffff, v0  }
0x7e: {  	v0 =	vld [tilespmem:s5+$0x16430];
	_ =	sdelay $0x1  }
0x7f: {  	p1 =	seq.s32 s6, $0xC7;
	s5 =	sadd.s32 $0x1, s6  }
0x80: {  	s5 =	simm.s32 @p1 $0x0  }
0x81: {  	s11 =	sshll.u32 s5, $0x8  }
0x82: {  	s6 =	sshra.s32 s11, $0x2;
	[tilespmem:s31+$0x30] =	vst.add.f32.msk $0xffff, v0  }
0x83: {  	v0 =	vld [tilespmem:s6+$0x16400];
	_ =	sdelay $0x4  }
0x84: {  	[tilespmem:s31+$0x40] =	vst.add.f32.msk $0xffff, v0  }
0x85: {  	v0 =	vld [tilespmem:s6+$0x16410];
	_ =	sdelay $0x4  }
0x86: {  	[tilespmem:s31+$0x50] =	vst.add.f32.msk $0xffff, v0  }
0x87: {  	v0 =	vld [tilespmem:s6+$0x16420];
	_ =	sdelay $0x4  }
0x88: {  	[tilespmem:s31+$0x60] =	vst.add.f32.msk $0xffff, v0  }
0x89: {  	v0 =	vld [tilespmem:s6+$0x16430];
	_ =	sdelay $0x1  }
0x8a: {  	p1 =	seq.s32 s5, $0xC7;
	s0 =	sadd.s32 $0x1, s5  }
0x8b: {  	s0 =	simm.s32 @p1 $0x0  }
0x8c: {  	s5 =	simm.s32 $0x2;
	s11 =	sadd.s32 $0x1, s0;
	s6 =	sshll.u32 s0, $0x8  }
.LBB2_5:
0x8d: {  	s5 =	sadd.s32 $0x2, s5;
	s6 =	sshra.s32 s6, $0x2;
	[tilespmem:s31+$0x70] =	vst.add.f32.msk $0xffff, v0;
	s31 =	sadd.s32 $0x80, s31  }
0x8e: {  	p1 =	slt.u32 s5, $0xFE;
	v0 =	vld [tilespmem:s6+$0x16400];
	_ =	sdelay $0x4  }
0x8f: {  	[tilespmem:s31+$0x0] =	vst.add.f32.msk $0xffff, v0  }
0x90: {  	v0 =	vld [tilespmem:s6+$0x16410];
	_ =	sdelay $0x4  }
0x91: {  	[tilespmem:s31+$0x10] =	vst.add.f32.msk $0xffff, v0  }
0x92: {  	v0 =	vld [tilespmem:s6+$0x16420];
	_ =	sdelay $0x4  }
0x93: {  	[tilespmem:s31+$0x20] =	vst.add.f32.msk $0xffff, v0  }
0x94: {  	v0 =	vld [tilespmem:s6+$0x16430];
	_ =	sdelay $0x1  }
0x95: {  	p2 =	seq.s32 s0, $0xC7  }
0x96: {  	s11 =	simm.s32 @p2 $0x0  }
0x97: {  	p2 =	seq.s32 s11, $0xC7;
	s0 =	sadd.s32 $0x1, s11;
	s6 =	sshll.u32 s11, $0x8  }
0x98: {  	s0 =	simm.s32 @p2 $0x0;
	s6 =	sshra.s32 s6, $0x2;
	[tilespmem:s31+$0x30] =	vst.add.f32.msk $0xffff, v0  }
0x99: {  	s11 =	sadd.s32 $0x1, s0;
	v0 =	vld [tilespmem:s6+$0x16400];
	_ =	sdelay $0x4  }
0x9a: {  	[tilespmem:s31+$0x40] =	vst.add.f32.msk $0xffff, v0  }
0x9b: {  	v0 =	vld [tilespmem:s6+$0x16410];
	_ =	sdelay $0x4  }
0x9c: {  	[tilespmem:s31+$0x50] =	vst.add.f32.msk $0xffff, v0  }
0x9d: {  	v0 =	vld [tilespmem:s6+$0x16420];
	_ =	sdelay $0x4  }
0x9e: {  	[tilespmem:s31+$0x60] =	vst.add.f32.msk $0xffff, v0  }
.Ltmp1:
0x9f: {  	v0 =	vld [tilespmem:s6+$0x16430];
	(pc) =	sbr.rel @p1 .LBB2_5-.Ltmp1, $2  }
0xa0: {  	_ =	sdelay $0x2  }
0xa1: {  	s6 =	sshll.u32 s0, $0x8  }
0xa2: {  	s5 =	sshra.s32 s6, $0x2;
	[tilespmem:s31+$0x70] =	vst.add.f32.msk $0xffff, v0  }
0xa3: {  	v0 =	vld [tilespmem:s5+$0x16400];
	_ =	sdelay $0x3  }
0xa4: {  	s6 =	sadd.s32 $0x80, s31  }
0xa5: {  	[tilespmem:s6+$0x0] =	vst.add.f32.msk $0xffff, v0  }
0xa6: {  	v0 =	vld [tilespmem:s5+$0x16410];
	_ =	sdelay $0x4  }
0xa7: {  	[tilespmem:s6+$0x10] =	vst.add.f32.msk $0xffff, v0  }
0xa8: {  	v0 =	vld [tilespmem:s5+$0x16420];
	_ =	sdelay $0x4  }
0xa9: {  	[tilespmem:s6+$0x20] =	vst.add.f32.msk $0xffff, v0  }
0xaa: {  	v0 =	vld [tilespmem:s5+$0x16430];
	_ =	sdelay $0x1  }
0xab: {  	p1 =	seq.s32 s0, $0xC7  }
0xac: {  	s11 =	simm.s32 @p1 $0x0  }
0xad: {  	s11 =	sshll.u32 s11, $0x8  }
0xae: {  	s0 =	sshra.s32 s11, $0x2;
	[tilespmem:s6+$0x30] =	vst.add.f32.msk $0xffff, v0  }
0xaf: {  	v0 =	vld [tilespmem:s0+$0x16400];
	_ =	sdelay $0x4  }
0xb0: {  	[tilespmem:s6+$0x40] =	vst.add.f32.msk $0xffff, v0  }
0xb1: {  	v0 =	vld [tilespmem:s0+$0x16410];
	_ =	sdelay $0x4  }
0xb2: {  	[tilespmem:s6+$0x50] =	vst.add.f32.msk $0xffff, v0  }
0xb3: {  	v0 =	vld [tilespmem:s0+$0x16420];
	_ =	sdelay $0x4  }
0xb4: {  	[tilespmem:s6+$0x60] =	vst.add.f32.msk $0xffff, v0  }
0xb5: {  	v0 =	vld [tilespmem:s0+$0x16430];
	_ =	sdelay $0x1  }
0xb6: {  	s5 =	sadd.s32 s3, s30  }
0xb7: {  	s0 =	sshll.u32 s5, $0x3  }
0xb8: {  	s0 =	sand.u32 $0x1FFFE800, s0  }
0xb9: {  	p1 =	seq.s32 s26, $0x18;
	s11 =	smulhi.u32 $0x51EB851F, s28;
	s0 =	sadd.s32 s1, s0;
	[tilespmem:s6+$0x70] =	vst.add.f32.msk $0xffff, v0  }
0xba: {  	[hbm4b:s0+s4] =	stream.linear.scatter [tilespmem:s14], [sflag:$0x6], $0x4000, $0x38;
	[tilespmem:$0x1A5A0] =	vst v63  }
0xbb: {  	s5 =	sshll.u32 @!p1 s26, $0xA;
	s0 =	simm.s32 @!p1 $0x5  }
0xbc: {  	s30 =	sand.u32 @!p1 $0x3FFFFC00, s5;
	s5 =	sshrl.u32 s11, $0x6;
	_ =	swait.ge @!p1 [sflag:s0], $0x4000  }
0xbd: {  	s11 =	simm.s32 @!p1 $0x6400;
	s5 =	smul.u32 $0xC8, s5;
	[sflag:s0] =	ssyncset.done @!p1 $0x0  }
0xbe: {  	s6 =	simm.s32 @!p1 $0x100;
	[sflag:s0] =	ssyncadd.s32 @!p1 $0xFFFFC000;
	s0 =	sadd.s32 @!p1 $0x400, s30  }
0xbf: {  	[tilespmem:s11], [sflag:$0x1] =	stream.indirect.gather @!p1 [spmem:s2], $0x40, s0, s6, $0xb8;
	[tilespmem:$0x1A5A0] =	vst v63  }
0xc0: {  	s6 =	ssub.s32 s28, s5;
	_ =	swait.ge [sflag:s19], $0x4000  }
0xc1: {  	s5 =	sshll.u32 s6, $0x8;
	[sflag:s19] =	ssyncset.done $0x0  }
0xc2: {  	s5 =	sshra.s32 s5, $0x2;
	[sflag:s19] =	ssyncadd.s32 $0xFFFFC000  }
0xc3: {  	v0 =	vld [tilespmem:s5+$0x16400];
	_ =	sdelay $0x3  }
0xc4: {  	s31 =	simm.s32 $0xE400  }
0xc5: {  	[tilespmem:s31+$0x0] =	vst.add.f32.msk $0xffff, v0  }
0xc6: {  	v0 =	vld [tilespmem:s5+$0x16410];
	_ =	sdelay $0x4  }
0xc7: {  	[tilespmem:s31+$0x10] =	vst.add.f32.msk $0xffff, v0  }
0xc8: {  	v0 =	vld [tilespmem:s5+$0x16420];
	_ =	sdelay $0x4  }
0xc9: {  	[tilespmem:s31+$0x20] =	vst.add.f32.msk $0xffff, v0  }
0xca: {  	v0 =	vld [tilespmem:s5+$0x16430];
	_ =	sdelay $0x1  }
0xcb: {  	p2 =	seq.s32 s6, $0xC7;
	s5 =	sadd.s32 $0x1, s6  }
0xcc: {  	s5 =	simm.s32 @p2 $0x0  }
0xcd: {  	s11 =	sshll.u32 s5, $0x8  }
0xce: {  	s6 =	sshra.s32 s11, $0x2;
	[tilespmem:s31+$0x30] =	vst.add.f32.msk $0xffff, v0  }
0xcf: {  	v0 =	vld [tilespmem:s6+$0x16400];
	_ =	sdelay $0x4  }
0xd0: {  	[tilespmem:s31+$0x40] =	vst.add.f32.msk $0xffff, v0  }
0xd1: {  	v0 =	vld [tilespmem:s6+$0x16410];
	_ =	sdelay $0x4  }
0xd2: {  	[tilespmem:s31+$0x50] =	vst.add.f32.msk $0xffff, v0  }
0xd3: {  	v0 =	vld [tilespmem:s6+$0x16420];
	_ =	sdelay $0x4  }
0xd4: {  	[tilespmem:s31+$0x60] =	vst.add.f32.msk $0xffff, v0  }
0xd5: {  	v0 =	vld [tilespmem:s6+$0x16430];
	_ =	sdelay $0x1  }
0xd6: {  	p2 =	seq.s32 s5, $0xC7;
	s0 =	sadd.s32 $0x1, s5  }
0xd7: {  	s0 =	simm.s32 @p2 $0x0  }
0xd8: {  	s5 =	simm.s32 $0x2;
	s11 =	sadd.s32 $0x1, s0;
	s6 =	sshll.u32 s0, $0x8  }
.LBB2_7:
0xd9: {  	s5 =	sadd.s32 $0x2, s5;
	s6 =	sshra.s32 s6, $0x2;
	[tilespmem:s31+$0x70] =	vst.add.f32.msk $0xffff, v0;
	s31 =	sadd.s32 $0x80, s31  }
0xda: {  	p2 =	slt.u32 s5, $0xFE;
	v0 =	vld [tilespmem:s6+$0x16400];
	_ =	sdelay $0x4  }
0xdb: {  	[tilespmem:s31+$0x0] =	vst.add.f32.msk $0xffff, v0  }
0xdc: {  	v0 =	vld [tilespmem:s6+$0x16410];
	_ =	sdelay $0x4  }
0xdd: {  	[tilespmem:s31+$0x10] =	vst.add.f32.msk $0xffff, v0  }
0xde: {  	v0 =	vld [tilespmem:s6+$0x16420];
	_ =	sdelay $0x4  }
0xdf: {  	[tilespmem:s31+$0x20] =	vst.add.f32.msk $0xffff, v0  }
0xe0: {  	v0 =	vld [tilespmem:s6+$0x16430];
	_ =	sdelay $0x1  }
0xe1: {  	p3 =	seq.s32 s0, $0xC7  }
0xe2: {  	s11 =	simm.s32 @p3 $0x0  }
0xe3: {  	p3 =	seq.s32 s11, $0xC7;
	s0 =	sadd.s32 $0x1, s11;
	s6 =	sshll.u32 s11, $0x8  }
0xe4: {  	s0 =	simm.s32 @p3 $0x0;
	s6 =	sshra.s32 s6, $0x2;
	[tilespmem:s31+$0x30] =	vst.add.f32.msk $0xffff, v0  }
0xe5: {  	s11 =	sadd.s32 $0x1, s0;
	v0 =	vld [tilespmem:s6+$0x16400];
	_ =	sdelay $0x4  }
0xe6: {  	[tilespmem:s31+$0x40] =	vst.add.f32.msk $0xffff, v0  }
0xe7: {  	v0 =	vld [tilespmem:s6+$0x16410];
	_ =	sdelay $0x4  }
0xe8: {  	[tilespmem:s31+$0x50] =	vst.add.f32.msk $0xffff, v0  }
0xe9: {  	v0 =	vld [tilespmem:s6+$0x16420];
	_ =	sdelay $0x4  }
0xea: {  	[tilespmem:s31+$0x60] =	vst.add.f32.msk $0xffff, v0  }
.Ltmp2:
0xeb: {  	v0 =	vld [tilespmem:s6+$0x16430];
	(pc) =	sbr.rel @p2 .LBB2_7-.Ltmp2, $2  }
0xec: {  	_ =	sdelay $0x2  }
0xed: {  	s6 =	sshll.u32 s0, $0x8  }
0xee: {  	s5 =	sshra.s32 s6, $0x2;
	[tilespmem:s31+$0x70] =	vst.add.f32.msk $0xffff, v0  }
0xef: {  	v0 =	vld [tilespmem:s5+$0x16400];
	_ =	sdelay $0x3  }
0xf0: {  	s6 =	sadd.s32 $0x80, s31  }
0xf1: {  	[tilespmem:s6+$0x0] =	vst.add.f32.msk $0xffff, v0  }
0xf2: {  	v0 =	vld [tilespmem:s5+$0x16410];
	_ =	sdelay $0x4  }
0xf3: {  	[tilespmem:s6+$0x10] =	vst.add.f32.msk $0xffff, v0  }
0xf4: {  	v0 =	vld [tilespmem:s5+$0x16420];
	_ =	sdelay $0x4  }
0xf5: {  	[tilespmem:s6+$0x20] =	vst.add.f32.msk $0xffff, v0  }
0xf6: {  	v0 =	vld [tilespmem:s5+$0x16430];
	_ =	sdelay $0x1  }
0xf7: {  	p2 =	seq.s32 s0, $0xC7  }
0xf8: {  	s11 =	simm.s32 @p2 $0x0  }
0xf9: {  	s31 =	sshll.u32 s11, $0x8  }
0xfa: {  	s0 =	sshra.s32 s31, $0x2;
	[tilespmem:s6+$0x30] =	vst.add.f32.msk $0xffff, v0  }
0xfb: {  	v0 =	vld [tilespmem:s0+$0x16400];
	_ =	sdelay $0x4  }
0xfc: {  	[tilespmem:s6+$0x40] =	vst.add.f32.msk $0xffff, v0  }
0xfd: {  	v0 =	vld [tilespmem:s0+$0x16410];
	_ =	sdelay $0x4  }
0xfe: {  	[tilespmem:s6+$0x50] =	vst.add.f32.msk $0xffff, v0  }
0xff: {  	v0 =	vld [tilespmem:s0+$0x16420];
	_ =	sdelay $0x4  }
0x100: {  	[tilespmem:s6+$0x60] =	vst.add.f32.msk $0xffff, v0  }
0x101: {  	v0 =	vld [tilespmem:s0+$0x16430];
	_ =	sdelay $0x1  }
0x102: {  	s5 =	sadd.s32 s3, s28  }
0x103: {  	s0 =	sshll.u32 s5, $0x3  }
0x104: {  	s0 =	sand.u32 $0x1FFFF000, s0  }
0x105: {  	s0 =	sadd.s32 s1, s0;
	[tilespmem:s6+$0x70] =	vst.add.f32.msk $0xffff, v0  }
0x106: {  	[hbm4b:s0+s4] =	stream.linear.scatter [tilespmem:s15], [sflag:$0x7], $0x4000, $0x38;
	[tilespmem:$0x1A5A0] =	vst v63  }
0x107: {  	s6 =	smulhi.u32 $0x51EB851F, s29;
	s0 =	simm.s32 @!p1 $0x6  }
0x108: {  	s11 =	simm.s32 @!p1 $0xA400;
	_ =	swait.ge @!p1 [sflag:s0], $0x4000  }
0x109: {  	s5 =	sshrl.u32 s6, $0x6;
	s6 =	simm.s32 @!p1 $0x100;
	[sflag:s0] =	ssyncset.done @!p1 $0x0  }
0x10a: {  	s5 =	smul.u32 $0xC8, s5;
	[sflag:s0] =	ssyncadd.s32 @!p1 $0xFFFFC000;
	s0 =	sadd.s32 @!p1 $0x500, s30  }
0x10b: {  	[tilespmem:s11], [sflag:$0x2] =	stream.indirect.gather @!p1 [spmem:s2], $0x40, s0, s6, $0xb8;
	[tilespmem:$0x1A5A0] =	vst v63  }
0x10c: {  	s11 =	ssub.s32 s29, s5;
	_ =	swait.ge [sflag:s20], $0x4000  }
0x10d: {  	s5 =	sshll.u32 s11, $0x8;
	[sflag:s20] =	ssyncset.done $0x0  }
0x10e: {  	s5 =	sshra.s32 s5, $0x2;
	[sflag:s20] =	ssyncadd.s32 $0xFFFFC000  }
0x10f: {  	v0 =	vld [tilespmem:s5+$0x16400];
	_ =	sdelay $0x3  }
0x110: {  	s28 =	simm.s32 $0x12400  }
0x111: {  	[tilespmem:s28+$0x0] =	vst.add.f32.msk $0xffff, v0  }
0x112: {  	v0 =	vld [tilespmem:s5+$0x16410];
	_ =	sdelay $0x4  }
0x113: {  	[tilespmem:s28+$0x10] =	vst.add.f32.msk $0xffff, v0  }
0x114: {  	v0 =	vld [tilespmem:s5+$0x16420];
	_ =	sdelay $0x4  }
0x115: {  	[tilespmem:s28+$0x20] =	vst.add.f32.msk $0xffff, v0  }
0x116: {  	v0 =	vld [tilespmem:s5+$0x16430];
	_ =	sdelay $0x1  }
0x117: {  	p1 =	seq.s32 s11, $0xC7;
	s5 =	sadd.s32 $0x1, s11  }
0x118: {  	s5 =	simm.s32 @p1 $0x0  }
0x119: {  	s30 =	sshll.u32 s5, $0x8  }
0x11a: {  	s31 =	sshra.s32 s30, $0x2;
	[tilespmem:s28+$0x30] =	vst.add.f32.msk $0xffff, v0  }
0x11b: {  	v0 =	vld [tilespmem:s31+$0x16400];
	_ =	sdelay $0x4  }
0x11c: {  	[tilespmem:s28+$0x40] =	vst.add.f32.msk $0xffff, v0  }
0x11d: {  	v0 =	vld [tilespmem:s31+$0x16410];
	_ =	sdelay $0x4  }
0x11e: {  	[tilespmem:s28+$0x50] =	vst.add.f32.msk $0xffff, v0  }
0x11f: {  	v0 =	vld [tilespmem:s31+$0x16420];
	_ =	sdelay $0x4  }
0x120: {  	[tilespmem:s28+$0x60] =	vst.add.f32.msk $0xffff, v0  }
0x121: {  	v0 =	vld [tilespmem:s31+$0x16430];
	_ =	sdelay $0x1  }
0x122: {  	p1 =	seq.s32 s5, $0xC7;
	s0 =	sadd.s32 $0x1, s5  }
0x123: {  	s0 =	simm.s32 @p1 $0x0  }
0x124: {  	s5 =	simm.s32 $0x2;
	s11 =	sadd.s32 $0x1, s0;
	s6 =	sshll.u32 s0, $0x8  }
.LBB2_9:
0x125: {  	s5 =	sadd.s32 $0x2, s5;
	s6 =	sshra.s32 s6, $0x2;
	[tilespmem:s28+$0x70] =	vst.add.f32.msk $0xffff, v0;
	s28 =	sadd.s32 $0x80, s28  }
0x126: {  	p1 =	slt.u32 s5, $0xFE;
	v0 =	vld [tilespmem:s6+$0x16400];
	_ =	sdelay $0x4  }
0x127: {  	[tilespmem:s28+$0x0] =	vst.add.f32.msk $0xffff, v0  }
0x128: {  	v0 =	vld [tilespmem:s6+$0x16410];
	_ =	sdelay $0x4  }
0x129: {  	[tilespmem:s28+$0x10] =	vst.add.f32.msk $0xffff, v0  }
0x12a: {  	v0 =	vld [tilespmem:s6+$0x16420];
	_ =	sdelay $0x4  }
0x12b: {  	[tilespmem:s28+$0x20] =	vst.add.f32.msk $0xffff, v0  }
0x12c: {  	v0 =	vld [tilespmem:s6+$0x16430];
	_ =	sdelay $0x1  }
0x12d: {  	p2 =	seq.s32 s0, $0xC7  }
0x12e: {  	s11 =	simm.s32 @p2 $0x0  }
0x12f: {  	p2 =	seq.s32 s11, $0xC7;
	s0 =	sadd.s32 $0x1, s11;
	s6 =	sshll.u32 s11, $0x8  }
0x130: {  	s0 =	simm.s32 @p2 $0x0;
	s6 =	sshra.s32 s6, $0x2;
	[tilespmem:s28+$0x30] =	vst.add.f32.msk $0xffff, v0  }
0x131: {  	s11 =	sadd.s32 $0x1, s0;
	v0 =	vld [tilespmem:s6+$0x16400];
	_ =	sdelay $0x4  }
0x132: {  	[tilespmem:s28+$0x40] =	vst.add.f32.msk $0xffff, v0  }
0x133: {  	v0 =	vld [tilespmem:s6+$0x16410];
	_ =	sdelay $0x4  }
0x134: {  	[tilespmem:s28+$0x50] =	vst.add.f32.msk $0xffff, v0  }
0x135: {  	v0 =	vld [tilespmem:s6+$0x16420];
	_ =	sdelay $0x4  }
0x136: {  	[tilespmem:s28+$0x60] =	vst.add.f32.msk $0xffff, v0  }
.Ltmp3:
0x137: {  	v0 =	vld [tilespmem:s6+$0x16430];
	(pc) =	sbr.rel @p1 .LBB2_9-.Ltmp3, $2  }
0x138: {  	_ =	sdelay $0x2  }
0x139: {  	s6 =	sshll.u32 s0, $0x8  }
0x13a: {  	s5 =	sshra.s32 s6, $0x2;
	[tilespmem:s28+$0x70] =	vst.add.f32.msk $0xffff, v0  }
0x13b: {  	v0 =	vld [tilespmem:s5+$0x16400];
	_ =	sdelay $0x3  }
0x13c: {  	s28 =	sadd.s32 $0x80, s28  }
0x13d: {  	[tilespmem:s28+$0x0] =	vst.add.f32.msk $0xffff, v0  }
0x13e: {  	v0 =	vld [tilespmem:s5+$0x16410];
	_ =	sdelay $0x4  }
0x13f: {  	[tilespmem:s28+$0x10] =	vst.add.f32.msk $0xffff, v0  }
0x140: {  	v0 =	vld [tilespmem:s5+$0x16420];
	_ =	sdelay $0x4  }
0x141: {  	[tilespmem:s28+$0x20] =	vst.add.f32.msk $0xffff, v0  }
0x142: {  	v0 =	vld [tilespmem:s5+$0x16430];
	_ =	sdelay $0x1  }
0x143: {  	p1 =	seq.s32 s0, $0xC7  }
0x144: {  	s11 =	simm.s32 @p1 $0x0  }
0x145: {  	s30 =	sshll.u32 s11, $0x8  }
0x146: {  	s0 =	sshra.s32 s30, $0x2;
	[tilespmem:s28+$0x30] =	vst.add.f32.msk $0xffff, v0  }
0x147: {  	v0 =	vld [tilespmem:s0+$0x16400];
	_ =	sdelay $0x4  }
0x148: {  	[tilespmem:s28+$0x40] =	vst.add.f32.msk $0xffff, v0  }
0x149: {  	v0 =	vld [tilespmem:s0+$0x16410];
	_ =	sdelay $0x4  }
0x14a: {  	[tilespmem:s28+$0x50] =	vst.add.f32.msk $0xffff, v0  }
0x14b: {  	v0 =	vld [tilespmem:s0+$0x16420];
	_ =	sdelay $0x4  }
0x14c: {  	[tilespmem:s28+$0x60] =	vst.add.f32.msk $0xffff, v0  }
0x14d: {  	s26 =	sadd.s32 $0x1, s26;
	v0 =	vld [tilespmem:s0+$0x16430]  }
0x14e: {  	p1 =	sne.s32 s26, $0x19  }
.Ltmp4:
0x14f: {  	s31 =	sadd.s32 s3, s29;
	(pc) =	sbr.rel @p1 .LBB2_2-.Ltmp4, $4  }
0x150: {  	s0 =	sshll.u32 s31, $0x3  }
0x151: {  	s0 =	sand.u32 $0x1FFFF800, s0  }
0x152: {  	s0 =	sadd.s32 s1, s0;
	[tilespmem:s28+$0x70] =	vst.add.f32.msk $0xffff, v0  }
0x153: {  	[hbm4b:s0+s4] =	stream.linear.scatter [tilespmem:s17], [sflag:$0x8], $0x4000, $0x38;
	[tilespmem:$0x1A5A0] =	vst v63  }
0x154: {  	_ =	swait.ge [sflag:s21], $0x4000  }
0x155: {  	[sflag:s21] =	ssyncset.done $0x0  }
0x156: {  	[sflag:s21] =	ssyncadd.s32 $0xFFFFC000  }
0x157: {  	_ =	swait.ge [sflag:s22], $0x4000  }
0x158: {  	[sflag:s22] =	ssyncset.done $0x0  }
0x159: {  	s25 =	sadd.s32 $0x1, s25;
	[sflag:s22] =	ssyncadd.s32 $0xFFFFC000  }
0x15a: {  	p1 =	sne.s32 s25, s8;
	_ =	swait.ge [sflag:s23], $0x4000  }
.Ltmp5:
0x15b: {  	[sflag:s23] =	ssyncset.done $0x0;
	(pc) =	sbr.rel @p1 .LBB2_1-.Ltmp5, $4  }
0x15c: {  	[sflag:s23] =	ssyncadd.s32 $0xFFFFC000  }
0x15d: {  	_ =	swait.ge [sflag:s24], $0x4000  }
0x15e: {  	[sflag:s24] =	ssyncset.done $0x0  }
0x15f: {  	[sflag:s24] =	ssyncadd.s32 $0xFFFFC000  }
0x160: {  	_ =	sfence.sel $0x180000  }
0x161: {  	[bflag:$0x0] =	sbarrier.arrive $0xFFFF  }
0x162: {  	_ =	strace $0x90000047  }
0x163: {  	[bflag:$0x2] =	sbarrier.arrive $0xFFFF  }
0x164: {  	s0 =	rddreg [dreg:$0x3]  }
0x165: {  	s0 =	sadd.s32 @!p0 $0x100000, s0  }
0x166: {  	[sflag:s0] =	ssyncadd.tile.s32 @!p0 $0x1;
	_ =	shalt  }
.Lfunc_end2:
_tile_overlayer_lowered:
.L_overlay_start_2:
0x167: {  	(tag) =	ssettag $0x2  }
0x168: {  	s0 =	rddreg [dreg:$0x0];
	s2 =	stileid.u32  }
0x169: {  	s1 =	rddreg [dreg:$0x1];
	p0 =	sne.s32 s2, $0x0  }
0x16a: {  	s3 =	rddreg [dreg:$0x2];
	[bflag:$0x3] =	sbarrier.arrive $0xFFFF;
	s2 =	simm.s32 @!p0 $0x1C09  }
0x16b: {  	[timem:s3], [sflag:s2] =	dma.local @!p0 [hbm:s0], s1  }
0x16c: {  	s0 =	simm.s32 @!p0 $0x9  }
0x16d: {  	_ =	swait.ge @!p0 [sflag:s0], s1  }
0x16e: {  	s1 =	ssub.s32 @!p0 $0x0, s1;
	[sflag:s0] =	ssyncset.done @!p0 $0x0  }
0x16f: {  	[sflag:s0] =	ssyncadd.s32 @!p0 s1  }
0x170: {  	[bflag:$0x3] =	sbarrier.arrive $0xFFFF  }
0x171: {  	_ =	shalt  }

// kernel: sparse-core-data-format-call.cloned.1.call-start
scs
called_computation_lowered:
.L_overlay_start_0:
0x0: {  	s2 =	sld [smem:$0x3FD9]  }
0x1: {  	s3 =	sld [smem:$0x3FFE];
	_ =	sdelay $0x1  }
0x2: {  	s1 =	srdreg.scid  }
0x3: {  	s0 =	sand.u32 $0x1, s1  }
0x4: {  	s18 =	sshll.u32 s0, $0xA;
	s2 =	sadd.s32 s3, s2  }
0x5: {  	s2 =	sadd.s32 s2, s18  }
0x6: {  	[smem:$0x3FC2] =	sst s2  }
0x7: {  	_ = 	snop  }
0x8: {  	s2 =	sld [smem:$0x3FD0];
	(tm) =	ssettm $0x1  }
0x9: {  	s19 =	sld [smem:$0x3FFB];
	_ =	sdelay $0x3  }
0xa: {  	_ =	strace s19  }
0xb: {  	s3 =	sld [smem:$0x3FFC];
	_ =	sdelay $0x3  }
0xc: {  	_ =	strace s3  }
0xd: {  	s3 =	sld [smem:$0x3FFD];
	_ =	sdelay $0x3  }
0xe: {  	_ =	strace s3  }
0xf: {  	_ =	strace $0x8FFFFFFF  }
0x10: {  	s20 =	sld [smem:$0x3FDB];
	_ =	sdelay $0x1  }
0x11: {  	s4 =	simm.s32 $_scs_section_size  }
0x12: {  	s5 =	simm.s32 $_size__tile_overlayer_lowered;
	s6 =	simm.s32 $_tile_overlayer_lowered  }
0x13: {  	s23 =	simm.s32 $0x1BFF;
	s22 =	sshll.u32 s6, $0x1;
	s3 =	sadd.s32 s4, s20  }
0x14: {  	s7 =	simm.s32 $0x0;
	s21 =	sshll.u32 s5, $0x1;
	s5 =	sadd.s32 s22, s3  }
0x15: {  	[timem:s7], [sflag:s23] =	dma.local [hbm:s5], s21  }
0x16: {  	_ =	swait.ge [sflag:s23], s21  }
0x17: {  	s4 =	ssub.s32 $0x0, s21;
	[sflag:s23] =	ssyncset.done $0x0  }
0x18: {  	[sflag:s23] =	ssyncadd.s32 s4;
	_ =	sdelay $0x1  }
0x19: {  	s24 =	simm.s32 $0x1B8B  }
0x1a: {  	_ =	swait.ge [sflag:s24], $0x1  }
0x1b: {  	[sflag:s24] =	ssyncset.done $0x0  }
0x1c: {  	s26 =	simm.s32 $0x1B8E;
	s25 =	sld [smem:$0x3FFE];
	[sflag:s24] =	ssyncadd.s32 $0xFFFFFFFF  }
0x1d: {  	s27 =	simm.s32 $execute0_lowered;
	[smem:$0x3FD2] =	sst s26  }
0x1e: {  	s5 =	sshll.u32 s27, $0x1;
	_ =	strace $0x80000049;
	[dreg:$0x1] =	wrdreg $0xFFFFFFFF  }
0x1f: {  	s28 =	simm.s32 $_size_execute0_lowered;
	s3 =	sadd.s32 s3, s5;
	[dreg:$0x0] =	wrdreg $0x0  }
0x20: {  	s5 =	sshll.u32 s28, $0x1;
	[dreg:$0x2] =	wrdreg s3  }
0x21: {  	[dreg:$0x3] =	wrdreg s5  }
0x22: {  	[dreg:$0x4] =	wrdreg $0xC0  }
0x23: {  	_ =	task [dreg:s7], $0x5FFFF  }
0x24: {  	[dreg:$0x1] =	wrdreg $0xFFFFFFFF  }
0x25: {  	[dreg:$0x0] =	wrdreg $0x60  }
0x26: {  	[dreg:$0x2] =	wrdreg s25  }
0x27: {  	[dreg:$0x3] =	wrdreg s2  }
0x28: {  	[dreg:$0x4] =	wrdreg $0x9  }
0x29: {  	_ =	task.clear_ibuf [dreg:s7], $0x5FFFF;
	_ =	strace $0x90000049  }
0x2a: {  	s29 =	simm.s32 $0x9;
	_ =	strace $0x8000004B  }
0x2b: {  	_ =	swait.ge [sflag:s29], $0x1  }
0x2c: {  	[sflag:s29] =	ssyncadd.s32 $0xFFFFFFFF  }
0x2d: {  	_ =	strace $0x9000004B  }
0x2e: {  	_ =	sfence  }
0x2f: {  	s30 =	sld [smem:$0x0];
	_ =	sdelay $0x2  }
0x30: {  	s31 =	sshll.u32 s1, $0xD;
	s1 =	sshrl.u32 s1, $0x2  }
0x31: {  	s3 =	sand.u32 $0x4000, s31;
	s1 =	sadd.s32 s1, s30  }
0x32: {  	s0 =	sor.u32 s3, s0;
	s1 =	sshll.u32 s1, $0x11  }
0x33: {  	s0 =	sor.u32 s1, s0  }
0x34: {  	s0 =	sadd.s32 $0x8F2B, s0  }
0x35: {  	[sflag:s0] =	ssyncadd.remote.s32 $0x1  }
0x36: {  	_ =	sfence.sel $0xFFFF  }
0x37: {  	[dreg:$0x0] =	wrdreg $0xFFFFFFFF;
	(pc) =	sbr.abs _section_cstart, $3  }
0x38: {  	[dreg:$0x1] =	wrdreg $0xFFFFFFFF  }
0x39: {  	_ =	task.clear_ibuf [dreg:s7], $0x2FFFF;
	_ =	strace $0x9FFFFFFF  }
0x3a: {  	(tm) =	ssettm $0x7FFFFFFF  }
0x3b: {  	_ =	shalt  }
tec
execute0_lowered:
.L_overlay_start_1:
0x0: {  	(tag) =	ssettag $0x1  }
0x1: {  	s0 =	srdreg.scid  }
0x2: {  	s1 =	sshll.u32 s0, $0x4  }
0x3: {  	s0 =	stileid.u32;
	s1 =	sand.u32 $0x10, s1  }
0x4: {  	s1 =	sor.u32 s0, s1  }
0x5: {  	s6 =	rddreg [dreg:$0x0];
	s4 =	simm.s32 $0x1;
	s2 =	sshll.u32 s1, $0x7  }
0x6: {  	s7 =	simm.s32 $0x2;
	s12 =	simm.s32 $0x0;
	s1 =	ssub.s32 $0x1000, s2  }
0x7: {  	s8 =	simm.s32 $0x8000;
	s13 =	simm.s32 $0x0;
	s3 =	sand.u32 $0xF80, s1  }
0x8: {  	s9 =	simm.s32 $0x0;
	s5 =	sshrl.u32 s1, $0xC;
	p0 =	sne.s32 s3, $0x0  }
.Ltmp0:
0x9: {  	s1 =	rddreg [dreg:$0x2];
	s4 =	simm.s32 @!p0 $0x0;
	(pc) =	sbr.rel .LBB1_1-.Ltmp0, $4  }
0xa: {  	s11 =	simm.s32 $0x0;
	s3 =	rddreg [dreg:$0x1];
	s5 =	sadd.s32 s4, s5  }
0xb: {  	_ =	strace $0x8000004A;
	s4 =	simm.s32 $0x1;
	s5 =	smul.u32 $0xC8, s5  }
0xc: {  	s6 =	sadd.s32 $0x800, s6;
	s10 =	smov.u32 s2;
	[sflag:s4] =	ssyncpa.u1 $0x0  }
0xd: {  	p0 =	por $0x0, $0x0;
	[sflag:s7] =	ssyncpa.u1 $0x0;
	s7 =	sor.u32 $0x1, s5  }
.LBB1_4:
0xe: {  	s16 =	sshll.u32 s13, $0x3;
	s17 =	sand.u32 $0x78, s13  }
0xf: {  	s30 =	sand.u32 $0x7E00, s13;
	s12 =	sshll.u32 s12, $0xF;
	s16 =	sand.u32 $0xC00, s16  }
0x10: {  	[tilespmem:s15+$0x810 ss:$0x81] =	vst.msk $0xffff, v2;
	s31 =	sand.u32 $0x7, s13;
	s16 =	sor.u32 s17, s16;
	s17 =	sadd.s32 s3, s30  }
0x11: {  	[tilespmem:s15+$0x1020 ss:$0x81] =	vst.msk $0xffff, v0;
	s13 =	sshll.u32 s31, $0x12;
	s12 =	sadd.s32 s12, s17;
	s16 =	sshrl.u32 s16, $0x3  }
0x12: {  	[tilespmem:s15+$0x0 ss:$0x81] =	vst.msk $0xffff, v1;
	s13 =	sor.u32 $0x400, s13;
	s12 =	sadd.s32 s16, s12  }
0x13: {  	[hbm4b:s12+s13] =	stream.strided.scatter [tilespmem:s14], [sflag:$0x2], $0x2000, s8, s13, $0x20;
	[tilespmem:$0x8080] =	vst v63  }
.LBB1_5:
0x14: {  	s14 =	sadd.s32 $0x1, s9  }
0x15: {  	s12 =	sadd.s32 $0x1000, s10;
	s16 =	smov.u32 s10;
	p2 =	sgt.s32 s14, $0xC7  }
0x16: {  	s16 =	smov.u32 @p2 s12  }
0x17: {  	s14 =	simm.s32 @p2 $0x0;
	p2 =	sgt.s32 s16, $0xFFF  }
0x18: {  	s16 =	smov.u32 @p2 s2;
	p2 =	sne.s32 s11, s7  }
.Ltmp1:
0x19: {  	p1 =	slt.u32 s11, $0x2;
	(pc) =	sbr.rel @!p2 .LBB1_6-.Ltmp1, $4  }
0x1a: {  	s15 =	simm.s32 @!p1 $0x2  }
0x1b: {  	s13 =	smov.u32 s10;
	p0 =	por !p0, !p0;
	_ =	swait.ge @!p1 [sflag:s15], $0x2000  }
0x1c: {  	s12 =	smov.u32 s9;
	[sflag:s15] =	ssyncset.done @!p1 $0x0;
	s9 =	smov.u32 s14  }
0x1d: {  	s11 =	sadd.s32 $0x1, s11;
	[sflag:s15] =	ssyncadd.s32 @!p1 $0xFFFFE000;
	s10 =	smov.u32 s16  }
.LBB1_1:
0x1e: {  	p1 =	sge.u32 s11, s5  }
0x1f: {  	s14 =	sand.u32 @!p1 $0x1FFFFFF, s9  }
0x20: {  	s15 =	smulhi.u32 @!p1 $0x147AE15, s14;
	_ =	sdelay $0x1  }
0x21: {  	s15 =	smul.u32 @!p1 $0xC8, s15  }
0x22: {  	s16 =	sxor.u32 @!p1 $0xFFFFFFFF, s11;
	s17 =	smul.u32 @!p1 $0xC80, s10  }
0x23: {  	s31 =	sadd.s32 $0xFFFFFFFF, s11;
	s16 =	sshll.u32 @!p1 s16, $0xD;
	s14 =	ssub.s32 @!p1 s14, s15  }
0x24: {  	s15 =	sand.u32 @!p1 $0x2000, s16;
	s16 =	sadd.s32 @!p1 s6, s17;
	s14 =	sshll.u32 @!p1 s14, $0x4  }
0x25: {  	s17 =	simm.s32 @!p1 $0x6400;
	s14 =	sadd.s32 @!p1 s14, s16;
	s16 =	simm.s32 @!p1 $0x40  }
0x26: {  	[tilespmem:s15], [sflag:$0x1] =	stream.strided.gather @!p1 [hbm4b:s14+s16], $0x2000, s17, s16, $0x38;
	[tilespmem:$0x8080] =	vst v63  }
0x27: {  	p1 =	sge.u32 s31, s5  }
.Ltmp2:
0x28: {  	_ = 	snop;
	(pc) =	sbr.rel @p1 .LBB1_5-.Ltmp2, $1  }
0x29: {  	_ =	sdelay $0x3  }
0x2a: {  	s14 =	simm.s32 $0x1  }
0x2b: {  	_ =	swait.ge [sflag:s4], $0x2000;
	s14 =	simm.s32 @!p0 $0x0  }
0x2c: {  	[sflag:s4] =	ssyncset.done $0x0;
	s15 =	sshll.u32 s14, $0xD  }
0x2d: {  	[sflag:s4] =	ssyncadd.s32 $0xFFFFE000;
	s18 =	sor.u32 $0x20, s15  }
0x2e: {  	s14 =	smul.u32 $0x8100, s14;
	v3 =	vld [tilespmem:s18+$0x10]  }
0x2f: {  	s30 =	sand.u32 $0x1, s11;
	v2 =	vld [tilespmem:s18+$0xFFFFFFF0]  }
0x30: {  	s15 =	smul.u32 $0x8100, s30;
	s14 =	sshrl.u32 s14, $0x2;
	v0 =	vld [tilespmem:s18+$0x0]  }
0x31: {  	v1 =	vld [tilespmem:s18+$0xFFFFFFE0];
	s16 =	sor.u32 $0x4000, s14  }
0x32: {  	s31 =	sshrl.u32 s15, $0x2;
	s15 =	sadd.s32 $0x0, s16  }
0x33: {  	s17 =	simm.s32 $0x4;
	s18 =	sadd.s32 $0x40, s18;
	s14 =	sor.u32 $0x4000, s31;
	[tilespmem:s15+$0x1830 ss:$0x81] =	vst.msk $0xffff, v3  }
.LBB1_3:
0x34: {  	v3 =	vld [tilespmem:s18+$0x10];
	p1 =	sne.s32 s17, $0x1FC;
	[tilespmem:s15+$0x810 ss:$0x81] =	vst.msk $0xffff, v2;
	s19 =	smov.u32 s17;
	s17 =	sadd.s32 $0x4, s17  }
.Ltmp3:
0x35: {  	v2 =	vld [tilespmem:s18+$0xFFFFFFF0];
	[tilespmem:s15+$0x1020 ss:$0x81] =	vst.msk $0xffff, v0;
	(pc) =	sbr.rel @p1 .LBB1_3-.Ltmp3, $4  }
0x36: {  	v0 =	vld [tilespmem:s18+$0x0];
	[tilespmem:s15+$0x0 ss:$0x81] =	vst.msk $0xffff, v1  }
0x37: {  	s15 =	sshra.s32 s19, $0x2;
	v1 =	vld [tilespmem:s18+$0xFFFFFFE0]  }
0x38: {  	s15 =	sadd.s32 s15, s16  }
0x39: {  	s18 =	sadd.s32 $0x40, s18;
	[tilespmem:s15+$0x1830 ss:$0x81] =	vst.msk $0xffff, v3  }
.Ltmp4:
0x3a: {  	_ = 	snop;
	(pc) =	sbr.rel .LBB1_4-.Ltmp4, $1  }
0x3b: {  	_ =	sdelay $0x3  }
.LBB1_6:
0x3c: {  	_ =	sfence.sel $0x180000  }
0x3d: {  	s2 =	simm.s32 $0x1;
	[bflag:$0x0] =	sbarrier.arrive $0xFFFF  }
0x3e: {  	s31 =	simm.s32 $0x2;
	[sflag:s2] =	ssyncpa.u1 $0x1  }
0x3f: {  	[sflag:s31] =	ssyncpa.u1 $0x1  }
0x40: {  	p0 =	sne.s32 s0, $0x0;
	_ =	strace $0x9000004A  }
0x41: {  	s0 =	sadd.s32 @!p0 $0x100000, s1;
	[bflag:$0x2] =	sbarrier.arrive $0xFFFF  }
0x42: {  	[sflag:s0] =	ssyncadd.tile.s32 @!p0 $0x1;
	_ =	shalt  }
.Lfunc_end1:
_tile_overlayer_lowered:
.L_overlay_start_2:
0x43: {  	(tag) =	ssettag $0x2  }
0x44: {  	s0 =	rddreg [dreg:$0x0];
	s2 =	stileid.u32  }
0x45: {  	s1 =	rddreg [dreg:$0x1];
	p0 =	sne.s32 s2, $0x0  }
0x46: {  	s3 =	rddreg [dreg:$0x2];
	[bflag:$0x3] =	sbarrier.arrive $0xFFFF;
	s2 =	simm.s32 @!p0 $0x1C01  }
0x47: {  	[timem:s3], [sflag:s2] =	dma.local @!p0 [hbm:s0], s1  }
0x48: {  	s0 =	simm.s32 @!p0 $0x1  }
0x49: {  	_ =	swait.ge @!p0 [sflag:s0], s1  }
0x4a: {  	s1 =	ssub.s32 @!p0 $0x0, s1;
	[sflag:s0] =	ssyncset.done @!p0 $0x0  }
0x4b: {  	[sflag:s0] =	ssyncadd.s32 @!p0 s1  }
0x4c: {  	[bflag:$0x3] =	sbarrier.arrive $0xFFFF  }
0x4d: {  	_ =	shalt  }

</sc_bundles>
